<compile_context>
chip_gen: v7x
topology: tpu7x:2x2x1
jax: 0.10.2.dev20260603
libtpu: 0.0.44.dev20260713+nightly
codegen_flags: <defaults>
</compile_context>

<pallas_src>
import functools

import jax
import jax.numpy as jnp
from jax import lax
from jax.experimental import pallas as pl
from jax.experimental.pallas import tpu as pltpu
from jax.experimental.pallas import tpu_sc as plsc

N_NODE = 100000
EMBED_DIM = 128
CHUNK = 128
NUM_WORKERS = 32
FULL_CHUNKS = N_NODE // CHUNK
TAIL = N_NODE - FULL_CHUNKS * CHUNK
TAIL_BASE = FULL_CHUNKS * CHUNK
MAX_SLOTS = 25
MAX_Z_ROWS = 37
NBUF = 6

_mesh = plsc.VectorSubcoreMesh(core_axis_name="c", subcore_axis_name="s")


@functools.partial(
    pl.kernel,
    mesh=_mesh,
    out_type=jax.ShapeDtypeStruct((N_NODE, EMBED_DIM), jnp.float32),
    scratch_types=[
        pltpu.VMEM((MAX_SLOTS * CHUNK,), jnp.int32),
        pltpu.VMEM((NBUF * CHUNK, EMBED_DIM), jnp.float32),
        pltpu.VMEM((TAIL,), jnp.int32),
        pltpu.VMEM((TAIL, EMBED_DIM), jnp.float32),
        pltpu.VMEM_SHARED((MAX_Z_ROWS, EMBED_DIM), jnp.float32),
        pltpu.SemaphoreType.DMA,
        pltpu.SemaphoreType.DMA,
        pltpu.SemaphoreType.DMA,
        pltpu.SemaphoreType.DMA,
        pltpu.SemaphoreType.DMA,
        pltpu.SemaphoreType.DMA,
        pltpu.SemaphoreType.DMA,
        pltpu.SemaphoreType.DMA,
        pltpu.SemaphoreType.DMA,
        pltpu.SemaphoreType.DMA,
        pltpu.SemaphoreType.DMA,
        pltpu.SemaphoreType.DMA,
        pltpu.SemaphoreType.DMA,
        pltpu.SemaphoreType.DMA,
    ],
)
def _embed_sc(z_hbm, w_hbm, out_hbm, idx_all, rbuf, idx_t, rows_t, w_sh,
              isem, tsem, g0, g1, g2, g3, g4, g5, w0, w1, w2, w3, w4, w5):
    gsem = (g0, g1, g2, g3, g4, g5)
    wsem = (w0, w1, w2, w3, w4, w5)
    wid = lax.axis_index("s") * 2 + lax.axis_index("c")

    preload = [
        pltpu.async_copy(
            z_hbm.at[pl.ds((wid + s * NUM_WORKERS) * CHUNK, CHUNK)],
            idx_all.at[pl.ds(s * CHUNK, CHUNK)], isem)
        for s in range(MAX_SLOTS - 1)
    ]

    @pl.when(lax.axis_index("s") == 0)
    def _():
        pltpu.sync_copy(w_hbm, w_sh)

    @pl.when(wid < FULL_CHUNKS - (MAX_SLOTS - 1) * NUM_WORKERS)
    def _():
        s = MAX_SLOTS - 1
        pltpu.sync_copy(
            z_hbm.at[pl.ds((wid + s * NUM_WORKERS) * CHUNK, CHUNK)],
            idx_all.at[pl.ds(s * CHUNK, CHUNK)])

    for cp in preload:
        cp.wait()

    plsc.subcore_barrier()

    def buf(b):
        return rbuf.at[pl.ds(b * CHUNK, CHUNK)]

    def g_start(s, b):
        return pltpu.async_copy(
            w_sh.at[idx_all.at[pl.ds(s * CHUNK, CHUNK)]], buf(b), gsem[b])

    def g_wait(b):
        pltpu.make_async_copy(
            out_hbm.at[pl.ds(0, CHUNK)], buf(b), gsem[b]).wait()

    def w_start(s, b):
        return pltpu.async_copy(
            buf(b), out_hbm.at[pl.ds((wid + s * NUM_WORKERS) * CHUNK, CHUNK)],
            wsem[b])

    def w_wait(b):
        pltpu.make_async_copy(
            buf(b), out_hbm.at[pl.ds(0, CHUNK)], wsem[b]).wait()

    for s in range(NBUF - 1):
        g_start(s, s)

    for s in range(NBUF - 1):
        g_wait(s)
        w_start(s, s)
        if s >= 1:
            w_wait(s - 1)
        g_start(s + NBUF - 1, (s + NBUF - 1) % NBUF)

    def loop_body(it, carry):
        for j in range(NBUF):
            b = (NBUF - 1 + j) % NBUF
            nb = (NBUF - 2 + j) % NBUF
            s = (NBUF - 1) + it * NBUF + j
            g_wait(b)
            w_start(s, b)

            @pl.when(wid + (s + NBUF - 1) * NUM_WORKERS < FULL_CHUNKS)
            def _():
                w_wait(nb)
                g_start(s + NBUF - 1, nb)

        return carry

    lax.fori_loop(0, (23 - (NBUF - 1)) // NBUF, loop_body, 0)

    g_wait(23 % NBUF)
    w_start(23, 23 % NBUF)

    @pl.when(wid < FULL_CHUNKS - (MAX_SLOTS - 1) * NUM_WORKERS)
    def _():
        g_wait(24 % NBUF)
        w_start(24, 24 % NBUF)

    @pl.when(wid == NUM_WORKERS - 1)
    def _():
        pltpu.sync_copy(z_hbm.at[pl.ds(TAIL_BASE, TAIL)], idx_t)
        pltpu.async_copy(w_sh.at[idx_t], rows_t, tsem).wait()
        pltpu.sync_copy(rows_t, out_hbm.at[pl.ds(TAIL_BASE, TAIL)])

    for b in range(NBUF):
        w_wait(b)


def kernel(z, z_embed_weight):
    return _embed_sc(z.astype(jnp.int32), z_embed_weight)

# --- scband reference (transcript-rebuilt; emitter-appended) ---
"""Pipeline reference for scband-embed-z-9234179687169 (READ-ONLY COPY).

The authoritative reference and input builder live on the scoring server;
editing this copy changes nothing except your own understanding.
"""

import jax, jax.numpy as jnp
import numpy as np
import math

EMBED_DIM = 128
MAX_Z = 36
N_NODE = 100000

def setup_inputs(seed: int = 0) -> dict:
    key = jax.random.key(seed)
    k_z, k_w = jax.random.split(key)
    z = jax.random.randint(k_z, (N_NODE,), 0, 37, dtype=jnp.int64 if jax.config.jax_enable_x64 else jnp.int32)
    # nn.Embedding weight, reset to uniform(-sqrt(3), sqrt(3))
    s = math.sqrt(3.0)
    z_embed_weight = jax.random.uniform(k_w, (MAX_Z + 1, EMBED_DIM), minval=-s, maxval=s, dtype=jnp.float32)
    return {"z": z, "z_embed_weight": z_embed_weight}

def reference(z, z_embed_weight):
    # EmbedZ.forward: z_embed = self.z_embed(z)
    z_embed = jnp.take(z_embed_weight, z, axis=0)
    return z_embed

if __name__ == "__main__":
    import jax
    _d = setup_inputs()
    print(jax.jit(kernel)(*tuple(_d.values())))

</pallas_src>

<mosaic_0001>
#map = affine_map<(d0, d1) -> (0)>
#map1 = affine_map<(d0, d1) -> (0, 0)>
module attributes {stable_mosaic.version = 14 : i64} {
  func.func @_embed_sc(%arg0: i32, %arg1: i32, %arg2: memref<100000xi32, #tpu.memory_space<hbm>>, %arg3: memref<37x128xf32, #tpu.memory_space<hbm>>, %arg4: memref<100000x128xf32, #tpu.memory_space<hbm>>, %arg5: memref<3200xi32, #tpu.memory_space<vmem>>, %arg6: memref<768x128xf32, #tpu.memory_space<vmem>>, %arg7: memref<32xi32, #tpu.memory_space<vmem>>, %arg8: memref<32x128xf32, #tpu.memory_space<vmem>>, %arg9: memref<37x128xf32, #tpu.memory_space<vmem_shared>>, %arg10: memref<!tpu.dma_semaphore, #tpu.memory_space<semaphore_mem>>, %arg11: memref<!tpu.dma_semaphore, #tpu.memory_space<semaphore_mem>>, %arg12: memref<!tpu.dma_semaphore, #tpu.memory_space<semaphore_mem>>, %arg13: memref<!tpu.dma_semaphore, #tpu.memory_space<semaphore_mem>>, %arg14: memref<!tpu.dma_semaphore, #tpu.memory_space<semaphore_mem>>, %arg15: memref<!tpu.dma_semaphore, #tpu.memory_space<semaphore_mem>>, %arg16: memref<!tpu.dma_semaphore, #tpu.memory_space<semaphore_mem>>, %arg17: memref<!tpu.dma_semaphore, #tpu.memory_space<semaphore_mem>>, %arg18: memref<!tpu.dma_semaphore, #tpu.memory_space<semaphore_mem>>, %arg19: memref<!tpu.dma_semaphore, #tpu.memory_space<semaphore_mem>>, %arg20: memref<!tpu.dma_semaphore, #tpu.memory_space<semaphore_mem>>, %arg21: memref<!tpu.dma_semaphore, #tpu.memory_space<semaphore_mem>>, %arg22: memref<!tpu.dma_semaphore, #tpu.memory_space<semaphore_mem>>, %arg23: memref<!tpu.dma_semaphore, #tpu.memory_space<semaphore_mem>>) attributes {dimension_semantics = [#tpu.dimension_semantics<core_parallel>, #tpu.dimension_semantics<subcore_parallel>], iteration_bounds = array<i64: 2, 16>, scalar_prefetch = 0 : i64, scratch_operands = 19 : i64, tpu.core_type = #tpu.core_type<sc_vector_subcore>, window_params = [{transform_indices = #map}, {transform_indices = #map1}, {transform_indices = #map1}]} {
    %mul3A = arith.constant 2 : i32
    %mul3A_0 = arith.muli %arg1, %mul3A : i32
    %add3A = arith.addi %mul3A_0, %arg0 : i32
    %add3A_1 = arith.constant 0 : i32
    %add3A_2 = arith.addi %add3A, %add3A_1 : i32
    %mul3A_3 = arith.constant 128 : i32
    %mul3A_4 = arith.muli %add3A_2, %mul3A_3 : i32
    %dma_start3A = arith.constant 0 : i32
    %dma_start3A_5 = tpu.memref_slice %arg5[%dma_start3A] : memref<3200xi32, #tpu.memory_space<vmem>> -> memref<128xi32, #tpu.memory_space<vmem>>
    %dma_start3A_6 = tpu.memref_slice %arg2[%mul3A_4] : memref<100000xi32, #tpu.memory_space<hbm>> -> memref<128xi32, #tpu.memory_space<hbm>>
    %dma_start3A_7 = arith.constant 0 : i32
    %dma_start3A_8 = tpu.memref_slice %arg5[%dma_start3A_7] : memref<3200xi32, #tpu.memory_space<vmem>> -> memref<128xi32, #tpu.memory_space<vmem>>
    %dma_start3A_9 = tpu.memref_slice %arg2[%mul3A_4] : memref<100000xi32, #tpu.memory_space<hbm>> -> memref<128xi32, #tpu.memory_space<hbm>>
    tpu.enqueue_dma source(%dma_start3A_9 : memref<128xi32, #tpu.memory_space<hbm>>) target(%dma_start3A_8 : memref<128xi32, #tpu.memory_space<vmem>>) target_semaphore(%arg10 : memref<!tpu.dma_semaphore, #tpu.memory_space<semaphore_mem>>)
    %add3A_10 = arith.constant 32 : i32
    %add3A_11 = arith.addi %add3A, %add3A_10 : i32
    %mul3A_12 = arith.constant 128 : i32
    %mul3A_13 = arith.muli %add3A_11, %mul3A_12 : i32
    %dma_start3A_14 = arith.constant 128 : i32
    %dma_start3A_15 = tpu.memref_slice %arg5[%dma_start3A_14] : memref<3200xi32, #tpu.memory_space<vmem>> -> memref<128xi32, #tpu.memory_space<vmem>>
    %dma_start3A_16 = tpu.memref_slice %arg2[%mul3A_13] : memref<100000xi32, #tpu.memory_space<hbm>> -> memref<128xi32, #tpu.memory_space<hbm>>
    %dma_start3A_17 = arith.constant 128 : i32
    %dma_start3A_18 = tpu.memref_slice %arg5[%dma_start3A_17] : memref<3200xi32, #tpu.memory_space<vmem>> -> memref<128xi32, #tpu.memory_space<vmem>>
    %dma_start3A_19 = tpu.memref_slice %arg2[%mul3A_13] : memref<100000xi32, #tpu.memory_space<hbm>> -> memref<128xi32, #tpu.memory_space<hbm>>
    tpu.enqueue_dma source(%dma_start3A_19 : memref<128xi32, #tpu.memory_space<hbm>>) target(%dma_start3A_18 : memref<128xi32, #tpu.memory_space<vmem>>) target_semaphore(%arg10 : memref<!tpu.dma_semaphore, #tpu.memory_space<semaphore_mem>>)
    %add3A_20 = arith.constant 64 : i32
    %add3A_21 = arith.addi %add3A, %add3A_20 : i32
    %mul3A_22 = arith.constant 128 : i32
    %mul3A_23 = arith.muli %add3A_21, %mul3A_22 : i32
    %dma_start3A_24 = arith.constant 256 : i32
    %dma_start3A_25 = tpu.memref_slice %arg5[%dma_start3A_24] : memref<3200xi32, #tpu.memory_space<vmem>> -> memref<128xi32, #tpu.memory_space<vmem>>
    %dma_start3A_26 = tpu.memref_slice %arg2[%mul3A_23] : memref<100000xi32, #tpu.memory_space<hbm>> -> memref<128xi32, #tpu.memory_space<hbm>>
    %dma_start3A_27 = arith.constant 256 : i32
    %dma_start3A_28 = tpu.memref_slice %arg5[%dma_start3A_27] : memref<3200xi32, #tpu.memory_space<vmem>> -> memref<128xi32, #tpu.memory_space<vmem>>
    %dma_start3A_29 = tpu.memref_slice %arg2[%mul3A_23] : memref<100000xi32, #tpu.memory_space<hbm>> -> memref<128xi32, #tpu.memory_space<hbm>>
    tpu.enqueue_dma source(%dma_start3A_29 : memref<128xi32, #tpu.memory_space<hbm>>) target(%dma_start3A_28 : memref<128xi32, #tpu.memory_space<vmem>>) target_semaphore(%arg10 : memref<!tpu.dma_semaphore, #tpu.memory_space<semaphore_mem>>)
    %add3A_30 = arith.constant 96 : i32
    %add3A_31 = arith.addi %add3A, %add3A_30 : i32
    %mul3A_32 = arith.constant 128 : i32
    %mul3A_33 = arith.muli %add3A_31, %mul3A_32 : i32
    %dma_start3A_34 = arith.constant 384 : i32
    %dma_start3A_35 = tpu.memref_slice %arg5[%dma_start3A_34] : memref<3200xi32, #tpu.memory_space<vmem>> -> memref<128xi32, #tpu.memory_space<vmem>>
    %dma_start3A_36 = tpu.memref_slice %arg2[%mul3A_33] : memref<100000xi32, #tpu.memory_space<hbm>> -> memref<128xi32, #tpu.memory_space<hbm>>
    %dma_start3A_37 = arith.constant 384 : i32
    %dma_start3A_38 = tpu.memref_slice %arg5[%dma_start3A_37] : memref<3200xi32, #tpu.memory_space<vmem>> -> memref<128xi32, #tpu.memory_space<vmem>>
    %dma_start3A_39 = tpu.memref_slice %arg2[%mul3A_33] : memref<100000xi32, #tpu.memory_space<hbm>> -> memref<128xi32, #tpu.memory_space<hbm>>
    tpu.enqueue_dma source(%dma_start3A_39 : memref<128xi32, #tpu.memory_space<hbm>>) target(%dma_start3A_38 : memref<128xi32, #tpu.memory_space<vmem>>) target_semaphore(%arg10 : memref<!tpu.dma_semaphore, #tpu.memory_space<semaphore_mem>>)
    %add3A_40 = arith.constant 128 : i32
    %add3A_41 = arith.addi %add3A, %add3A_40 : i32
    %mul3A_42 = arith.constant 128 : i32
    %mul3A_43 = arith.muli %add3A_41, %mul3A_42 : i32
    %dma_start3A_44 = arith.constant 512 : i32
    %dma_start3A_45 = tpu.memref_slice %arg5[%dma_start3A_44] : memref<3200xi32, #tpu.memory_space<vmem>> -> memref<128xi32, #tpu.memory_space<vmem>>
    %dma_start3A_46 = tpu.memref_slice %arg2[%mul3A_43] : memref<100000xi32, #tpu.memory_space<hbm>> -> memref<128xi32, #tpu.memory_space<hbm>>
    %dma_start3A_47 = arith.constant 512 : i32
    %dma_start3A_48 = tpu.memref_slice %arg5[%dma_start3A_47] : memref<3200xi32, #tpu.memory_space<vmem>> -> memref<128xi32, #tpu.memory_space<vmem>>
    %dma_start3A_49 = tpu.memref_slice %arg2[%mul3A_43] : memref<100000xi32, #tpu.memory_space<hbm>> -> memref<128xi32, #tpu.memory_space<hbm>>
    tpu.enqueue_dma source(%dma_start3A_49 : memref<128xi32, #tpu.memory_space<hbm>>) target(%dma_start3A_48 : memref<128xi32, #tpu.memory_space<vmem>>) target_semaphore(%arg10 : memref<!tpu.dma_semaphore, #tpu.memory_space<semaphore_mem>>)
    %add3A_50 = arith.constant 160 : i32
    %add3A_51 = arith.addi %add3A, %add3A_50 : i32
    %mul3A_52 = arith.constant 128 : i32
    %mul3A_53 = arith.muli %add3A_51, %mul3A_52 : i32
    %dma_start3A_54 = arith.constant 640 : i32
    %dma_start3A_55 = tpu.memref_slice %arg5[%dma_start3A_54] : memref<3200xi32, #tpu.memory_space<vmem>> -> memref<128xi32, #tpu.memory_space<vmem>>
    %dma_start3A_56 = tpu.memref_slice %arg2[%mul3A_53] : memref<100000xi32, #tpu.memory_space<hbm>> -> memref<128xi32, #tpu.memory_space<hbm>>
    %dma_start3A_57 = arith.constant 640 : i32
    %dma_start3A_58 = tpu.memref_slice %arg5[%dma_start3A_57] : memref<3200xi32, #tpu.memory_space<vmem>> -> memref<128xi32, #tpu.memory_space<vmem>>
    %dma_start3A_59 = tpu.memref_slice %arg2[%mul3A_53] : memref<100000xi32, #tpu.memory_space<hbm>> -> memref<128xi32, #tpu.memory_space<hbm>>
    tpu.enqueue_dma source(%dma_start3A_59 : memref<128xi32, #tpu.memory_space<hbm>>) target(%dma_start3A_58 : memref<128xi32, #tpu.memory_space<vmem>>) target_semaphore(%arg10 : memref<!tpu.dma_semaphore, #tpu.memory_space<semaphore_mem>>)
    %add3A_60 = arith.constant 192 : i32
    %add3A_61 = arith.addi %add3A, %add3A_60 : i32
    %mul3A_62 = arith.constant 128 : i32
    %mul3A_63 = arith.muli %add3A_61, %mul3A_62 : i32
    %dma_start3A_64 = arith.constant 768 : i32
    %dma_start3A_65 = tpu.memref_slice %arg5[%dma_start3A_64] : memref<3200xi32, #tpu.memory_space<vmem>> -> memref<128xi32, #tpu.memory_space<vmem>>
    %dma_start3A_66 = tpu.memref_slice %arg2[%mul3A_63] : memref<100000xi32, #tpu.memory_space<hbm>> -> memref<128xi32, #tpu.memory_space<hbm>>
    %dma_start3A_67 = arith.constant 768 : i32
    %dma_start3A_68 = tpu.memref_slice %arg5[%dma_start3A_67] : memref<3200xi32, #tpu.memory_space<vmem>> -> memref<128xi32, #tpu.memory_space<vmem>>
    %dma_start3A_69 = tpu.memref_slice %arg2[%mul3A_63] : memref<100000xi32, #tpu.memory_space<hbm>> -> memref<128xi32, #tpu.memory_space<hbm>>
    tpu.enqueue_dma source(%dma_start3A_69 : memref<128xi32, #tpu.memory_space<hbm>>) target(%dma_start3A_68 : memref<128xi32, #tpu.memory_space<vmem>>) target_semaphore(%arg10 : memref<!tpu.dma_semaphore, #tpu.memory_space<semaphore_mem>>)
    %add3A_70 = arith.constant 224 : i32
    %add3A_71 = arith.addi %add3A, %add3A_70 : i32
    %mul3A_72 = arith.constant 128 : i32
    %mul3A_73 = arith.muli %add3A_71, %mul3A_72 : i32
    %dma_start3A_74 = arith.constant 896 : i32
    %dma_start3A_75 = tpu.memref_slice %arg5[%dma_start3A_74] : memref<3200xi32, #tpu.memory_space<vmem>> -> memref<128xi32, #tpu.memory_space<vmem>>
    %dma_start3A_76 = tpu.memref_slice %arg2[%mul3A_73] : memref<100000xi32, #tpu.memory_space<hbm>> -> memref<128xi32, #tpu.memory_space<hbm>>
    %dma_start3A_77 = arith.constant 896 : i32
    %dma_start3A_78 = tpu.memref_slice %arg5[%dma_start3A_77] : memref<3200xi32, #tpu.memory_space<vmem>> -> memref<128xi32, #tpu.memory_space<vmem>>
    %dma_start3A_79 = tpu.memref_slice %arg2[%mul3A_73] : memref<100000xi32, #tpu.memory_space<hbm>> -> memref<128xi32, #tpu.memory_space<hbm>>
    tpu.enqueue_dma source(%dma_start3A_79 : memref<128xi32, #tpu.memory_space<hbm>>) target(%dma_start3A_78 : memref<128xi32, #tpu.memory_space<vmem>>) target_semaphore(%arg10 : memref<!tpu.dma_semaphore, #tpu.memory_space<semaphore_mem>>)
    %add3A_80 = arith.constant 256 : i32
    %add3A_81 = arith.addi %add3A, %add3A_80 : i32
    %mul3A_82 = arith.constant 128 : i32
    %mul3A_83 = arith.muli %add3A_81, %mul3A_82 : i32
    %dma_start3A_84 = arith.constant 1024 : i32
    %dma_start3A_85 = tpu.memref_slice %arg5[%dma_start3A_84] : memref<3200xi32, #tpu.memory_space<vmem>> -> memref<128xi32, #tpu.memory_space<vmem>>
    %dma_start3A_86 = tpu.memref_slice %arg2[%mul3A_83] : memref<100000xi32, #tpu.memory_space<hbm>> -> memref<128xi32, #tpu.memory_space<hbm>>
    %dma_start3A_87 = arith.constant 1024 : i32
    %dma_start3A_88 = tpu.memref_slice %arg5[%dma_start3A_87] : memref<3200xi32, #tpu.memory_space<vmem>> -> memref<128xi32, #tpu.memory_space<vmem>>
    %dma_start3A_89 = tpu.memref_slice %arg2[%mul3A_83] : memref<100000xi32, #tpu.memory_space<hbm>> -> memref<128xi32, #tpu.memory_space<hbm>>
    tpu.enqueue_dma source(%dma_start3A_89 : memref<128xi32, #tpu.memory_space<hbm>>) target(%dma_start3A_88 : memref<128xi32, #tpu.memory_space<vmem>>) target_semaphore(%arg10 : memref<!tpu.dma_semaphore, #tpu.memory_space<semaphore_mem>>)
    %add3A_90 = arith.constant 288 : i32
    %add3A_91 = arith.addi %add3A, %add3A_90 : i32
    %mul3A_92 = arith.constant 128 : i32
    %mul3A_93 = arith.muli %add3A_91, %mul3A_92 : i32
    %dma_start3A_94 = arith.constant 1152 : i32
    %dma_start3A_95 = tpu.memref_slice %arg5[%dma_start3A_94] : memref<3200xi32, #tpu.memory_space<vmem>> -> memref<128xi32, #tpu.memory_space<vmem>>
    %dma_start3A_96 = tpu.memref_slice %arg2[%mul3A_93] : memref<100000xi32, #tpu.memory_space<hbm>> -> memref<128xi32, #tpu.memory_space<hbm>>
    %dma_start3A_97 = arith.constant 1152 : i32
    %dma_start3A_98 = tpu.memref_slice %arg5[%dma_start3A_97] : memref<3200xi32, #tpu.memory_space<vmem>> -> memref<128xi32, #tpu.memory_space<vmem>>
    %dma_start3A_99 = tpu.memref_slice %arg2[%mul3A_93] : memref<100000xi32, #tpu.memory_space<hbm>> -> memref<128xi32, #tpu.memory_space<hbm>>
    tpu.enqueue_dma source(%dma_start3A_99 : memref<128xi32, #tpu.memory_space<hbm>>) target(%dma_start3A_98 : memref<128xi32, #tpu.memory_space<vmem>>) target_semaphore(%arg10 : memref<!tpu.dma_semaphore, #tpu.memory_space<semaphore_mem>>)
    %add3A_100 = arith.constant 320 : i32
    %add3A_101 = arith.addi %add3A, %add3A_100 : i32
    %mul3A_102 = arith.constant 128 : i32
    %mul3A_103 = arith.muli %add3A_101, %mul3A_102 : i32
    %dma_start3A_104 = arith.constant 1280 : i32
    %dma_start3A_105 = tpu.memref_slice %arg5[%dma_start3A_104] : memref<3200xi32, #tpu.memory_space<vmem>> -> memref<128xi32, #tpu.memory_space<vmem>>
    %dma_start3A_106 = tpu.memref_slice %arg2[%mul3A_103] : memref<100000xi32, #tpu.memory_space<hbm>> -> memref<128xi32, #tpu.memory_space<hbm>>
    %dma_start3A_107 = arith.constant 1280 : i32
    %dma_start3A_108 = tpu.memref_slice %arg5[%dma_start3A_107] : memref<3200xi32, #tpu.memory_space<vmem>> -> memref<128xi32, #tpu.memory_space<vmem>>
    %dma_start3A_109 = tpu.memref_slice %arg2[%mul3A_103] : memref<100000xi32, #tpu.memory_space<hbm>> -> memref<128xi32, #tpu.memory_space<hbm>>
    tpu.enqueue_dma source(%dma_start3A_109 : memref<128xi32, #tpu.memory_space<hbm>>) target(%dma_start3A_108 : memref<128xi32, #tpu.memory_space<vmem>>) target_semaphore(%arg10 : memref<!tpu.dma_semaphore, #tpu.memory_space<semaphore_mem>>)
    %add3A_110 = arith.constant 352 : i32
    %add3A_111 = arith.addi %add3A, %add3A_110 : i32
    %mul3A_112 = arith.constant 128 : i32
    %mul3A_113 = arith.muli %add3A_111, %mul3A_112 : i32
    %dma_start3A_114 = arith.constant 1408 : i32
    %dma_start3A_115 = tpu.memref_slice %arg5[%dma_start3A_114] : memref<3200xi32, #tpu.memory_space<vmem>> -> memref<128xi32, #tpu.memory_space<vmem>>
    %dma_start3A_116 = tpu.memref_slice %arg2[%mul3A_113] : memref<100000xi32, #tpu.memory_space<hbm>> -> memref<128xi32, #tpu.memory_space<hbm>>
    %dma_start3A_117 = arith.constant 1408 : i32
    %dma_start3A_118 = tpu.memref_slice %arg5[%dma_start3A_117] : memref<3200xi32, #tpu.memory_space<vmem>> -> memref<128xi32, #tpu.memory_space<vmem>>
    %dma_start3A_119 = tpu.memref_slice %arg2[%mul3A_113] : memref<100000xi32, #tpu.memory_space<hbm>> -> memref<128xi32, #tpu.memory_space<hbm>>
    tpu.enqueue_dma source(%dma_start3A_119 : memref<128xi32, #tpu.memory_space<hbm>>) target(%dma_start3A_118 : memref<128xi32, #tpu.memory_space<vmem>>) target_semaphore(%arg10 : memref<!tpu.dma_semaphore, #tpu.memory_space<semaphore_mem>>)
    %add3A_120 = arith.constant 384 : i32
    %add3A_121 = arith.addi %add3A, %add3A_120 : i32
    %mul3A_122 = arith.constant 128 : i32
    %mul3A_123 = arith.muli %add3A_121, %mul3A_122 : i32
    %dma_start3A_124 = arith.constant 1536 : i32
    %dma_start3A_125 = tpu.memref_slice %arg5[%dma_start3A_124] : memref<3200xi32, #tpu.memory_space<vmem>> -> memref<128xi32, #tpu.memory_space<vmem>>
    %dma_start3A_126 = tpu.memref_slice %arg2[%mul3A_123] : memref<100000xi32, #tpu.memory_space<hbm>> -> memref<128xi32, #tpu.memory_space<hbm>>
    %dma_start3A_127 = arith.constant 1536 : i32
    %dma_start3A_128 = tpu.memref_slice %arg5[%dma_start3A_127] : memref<3200xi32, #tpu.memory_space<vmem>> -> memref<128xi32, #tpu.memory_space<vmem>>
    %dma_start3A_129 = tpu.memref_slice %arg2[%mul3A_123] : memref<100000xi32, #tpu.memory_space<hbm>> -> memref<128xi32, #tpu.memory_space<hbm>>
    tpu.enqueue_dma source(%dma_start3A_129 : memref<128xi32, #tpu.memory_space<hbm>>) target(%dma_start3A_128 : memref<128xi32, #tpu.memory_space<vmem>>) target_semaphore(%arg10 : memref<!tpu.dma_semaphore, #tpu.memory_space<semaphore_mem>>)
    %add3A_130 = arith.constant 416 : i32
    %add3A_131 = arith.addi %add3A, %add3A_130 : i32
    %mul3A_132 = arith.constant 128 : i32
    %mul3A_133 = arith.muli %add3A_131, %mul3A_132 : i32
    %dma_start3A_134 = arith.constant 1664 : i32
    %dma_start3A_135 = tpu.memref_slice %arg5[%dma_start3A_134] : memref<3200xi32, #tpu.memory_space<vmem>> -> memref<128xi32, #tpu.memory_space<vmem>>
    %dma_start3A_136 = tpu.memref_slice %arg2[%mul3A_133] : memref<100000xi32, #tpu.memory_space<hbm>> -> memref<128xi32, #tpu.memory_space<hbm>>
    %dma_start3A_137 = arith.constant 1664 : i32
    %dma_start3A_138 = tpu.memref_slice %arg5[%dma_start3A_137] : memref<3200xi32, #tpu.memory_space<vmem>> -> memref<128xi32, #tpu.memory_space<vmem>>
    %dma_start3A_139 = tpu.memref_slice %arg2[%mul3A_133] : memref<100000xi32, #tpu.memory_space<hbm>> -> memref<128xi32, #tpu.memory_space<hbm>>
    tpu.enqueue_dma source(%dma_start3A_139 : memref<128xi32, #tpu.memory_space<hbm>>) target(%dma_start3A_138 : memref<128xi32, #tpu.memory_space<vmem>>) target_semaphore(%arg10 : memref<!tpu.dma_semaphore, #tpu.memory_space<semaphore_mem>>)
    %add3A_140 = arith.constant 448 : i32
    %add3A_141 = arith.addi %add3A, %add3A_140 : i32
    %mul3A_142 = arith.constant 128 : i32
    %mul3A_143 = arith.muli %add3A_141, %mul3A_142 : i32
    %dma_start3A_144 = arith.constant 1792 : i32
    %dma_start3A_145 = tpu.memref_slice %arg5[%dma_start3A_144] : memref<3200xi32, #tpu.memory_space<vmem>> -> memref<128xi32, #tpu.memory_space<vmem>>
    %dma_start3A_146 = tpu.memref_slice %arg2[%mul3A_143] : memref<100000xi32, #tpu.memory_space<hbm>> -> memref<128xi32, #tpu.memory_space<hbm>>
    %dma_start3A_147 = arith.constant 1792 : i32
    %dma_start3A_148 = tpu.memref_slice %arg5[%dma_start3A_147] : memref<3200xi32, #tpu.memory_space<vmem>> -> memref<128xi32, #tpu.memory_space<vmem>>
    %dma_start3A_149 = tpu.memref_slice %arg2[%mul3A_143] : memref<100000xi32, #tpu.memory_space<hbm>> -> memref<128xi32, #tpu.memory_space<hbm>>
    tpu.enqueue_dma source(%dma_start3A_149 : memref<128xi32, #tpu.memory_space<hbm>>) target(%dma_start3A_148 : memref<128xi32, #tpu.memory_space<vmem>>) target_semaphore(%arg10 : memref<!tpu.dma_semaphore, #tpu.memory_space<semaphore_mem>>)
    %add3A_150 = arith.constant 480 : i32
    %add3A_151 = arith.addi %add3A, %add3A_150 : i32
    %mul3A_152 = arith.constant 128 : i32
    %mul3A_153 = arith.muli %add3A_151, %mul3A_152 : i32
    %dma_start3A_154 = arith.constant 1920 : i32
    %dma_start3A_155 = tpu.memref_slice %arg5[%dma_start3A_154] : memref<3200xi32, #tpu.memory_space<vmem>> -> memref<128xi32, #tpu.memory_space<vmem>>
    %dma_start3A_156 = tpu.memref_slice %arg2[%mul3A_153] : memref<100000xi32, #tpu.memory_space<hbm>> -> memref<128xi32, #tpu.memory_space<hbm>>
    %dma_start3A_157 = arith.constant 1920 : i32
    %dma_start3A_158 = tpu.memref_slice %arg5[%dma_start3A_157] : memref<3200xi32, #tpu.memory_space<vmem>> -> memref<128xi32, #tpu.memory_space<vmem>>
    %dma_start3A_159 = tpu.memref_slice %arg2[%mul3A_153] : memref<100000xi32, #tpu.memory_space<hbm>> -> memref<128xi32, #tpu.memory_space<hbm>>
    tpu.enqueue_dma source(%dma_start3A_159 : memref<128xi32, #tpu.memory_space<hbm>>) target(%dma_start3A_158 : memref<128xi32, #tpu.memory_space<vmem>>) target_semaphore(%arg10 : memref<!tpu.dma_semaphore, #tpu.memory_space<semaphore_mem>>)
    %add3A_160 = arith.constant 512 : i32
    %add3A_161 = arith.addi %add3A, %add3A_160 : i32
    %mul3A_162 = arith.constant 128 : i32
    %mul3A_163 = arith.muli %add3A_161, %mul3A_162 : i32
    %dma_start3A_164 = arith.constant 2048 : i32
    %dma_start3A_165 = tpu.memref_slice %arg5[%dma_start3A_164] : memref<3200xi32, #tpu.memory_space<vmem>> -> memref<128xi32, #tpu.memory_space<vmem>>
    %dma_start3A_166 = tpu.memref_slice %arg2[%mul3A_163] : memref<100000xi32, #tpu.memory_space<hbm>> -> memref<128xi32, #tpu.memory_space<hbm>>
    %dma_start3A_167 = arith.constant 2048 : i32
    %dma_start3A_168 = tpu.memref_slice %arg5[%dma_start3A_167] : memref<3200xi32, #tpu.memory_space<vmem>> -> memref<128xi32, #tpu.memory_space<vmem>>
    %dma_start3A_169 = tpu.memref_slice %arg2[%mul3A_163] : memref<100000xi32, #tpu.memory_space<hbm>> -> memref<128xi32, #tpu.memory_space<hbm>>
    tpu.enqueue_dma source(%dma_start3A_169 : memref<128xi32, #tpu.memory_space<hbm>>) target(%dma_start3A_168 : memref<128xi32, #tpu.memory_space<vmem>>) target_semaphore(%arg10 : memref<!tpu.dma_semaphore, #tpu.memory_space<semaphore_mem>>)
    %add3A_170 = arith.constant 544 : i32
    %add3A_171 = arith.addi %add3A, %add3A_170 : i32
    %mul3A_172 = arith.constant 128 : i32
    %mul3A_173 = arith.muli %add3A_171, %mul3A_172 : i32
    %dma_start3A_174 = arith.constant 2176 : i32
    %dma_start3A_175 = tpu.memref_slice %arg5[%dma_start3A_174] : memref<3200xi32, #tpu.memory_space<vmem>> -> memref<128xi32, #tpu.memory_space<vmem>>
    %dma_start3A_176 = tpu.memref_slice %arg2[%mul3A_173] : memref<100000xi32, #tpu.memory_space<hbm>> -> memref<128xi32, #tpu.memory_space<hbm>>
    %dma_start3A_177 = arith.constant 2176 : i32
    %dma_start3A_178 = tpu.memref_slice %arg5[%dma_start3A_177] : memref<3200xi32, #tpu.memory_space<vmem>> -> memref<128xi32, #tpu.memory_space<vmem>>
    %dma_start3A_179 = tpu.memref_slice %arg2[%mul3A_173] : memref<100000xi32, #tpu.memory_space<hbm>> -> memref<128xi32, #tpu.memory_space<hbm>>
    tpu.enqueue_dma source(%dma_start3A_179 : memref<128xi32, #tpu.memory_space<hbm>>) target(%dma_start3A_178 : memref<128xi32, #tpu.memory_space<vmem>>) target_semaphore(%arg10 : memref<!tpu.dma_semaphore, #tpu.memory_space<semaphore_mem>>)
    %add3A_180 = arith.constant 576 : i32
    %add3A_181 = arith.addi %add3A, %add3A_180 : i32
    %mul3A_182 = arith.constant 128 : i32
    %mul3A_183 = arith.muli %add3A_181, %mul3A_182 : i32
    %dma_start3A_184 = arith.constant 2304 : i32
    %dma_start3A_185 = tpu.memref_slice %arg5[%dma_start3A_184] : memref<3200xi32, #tpu.memory_space<vmem>> -> memref<128xi32, #tpu.memory_space<vmem>>
    %dma_start3A_186 = tpu.memref_slice %arg2[%mul3A_183] : memref<100000xi32, #tpu.memory_space<hbm>> -> memref<128xi32, #tpu.memory_space<hbm>>
    %dma_start3A_187 = arith.constant 2304 : i32
    %dma_start3A_188 = tpu.memref_slice %arg5[%dma_start3A_187] : memref<3200xi32, #tpu.memory_space<vmem>> -> memref<128xi32, #tpu.memory_space<vmem>>
    %dma_start3A_189 = tpu.memref_slice %arg2[%mul3A_183] : memref<100000xi32, #tpu.memory_space<hbm>> -> memref<128xi32, #tpu.memory_space<hbm>>
    tpu.enqueue_dma source(%dma_start3A_189 : memref<128xi32, #tpu.memory_space<hbm>>) target(%dma_start3A_188 : memref<128xi32, #tpu.memory_space<vmem>>) target_semaphore(%arg10 : memref<!tpu.dma_semaphore, #tpu.memory_space<semaphore_mem>>)
    %add3A_190 = arith.constant 608 : i32
    %add3A_191 = arith.addi %add3A, %add3A_190 : i32
    %mul3A_192 = arith.constant 128 : i32
    %mul3A_193 = arith.muli %add3A_191, %mul3A_192 : i32
    %dma_start3A_194 = arith.constant 2432 : i32
    %dma_start3A_195 = tpu.memref_slice %arg5[%dma_start3A_194] : memref<3200xi32, #tpu.memory_space<vmem>> -> memref<128xi32, #tpu.memory_space<vmem>>
    %dma_start3A_196 = tpu.memref_slice %arg2[%mul3A_193] : memref<100000xi32, #tpu.memory_space<hbm>> -> memref<128xi32, #tpu.memory_space<hbm>>
    %dma_start3A_197 = arith.constant 2432 : i32
    %dma_start3A_198 = tpu.memref_slice %arg5[%dma_start3A_197] : memref<3200xi32, #tpu.memory_space<vmem>> -> memref<128xi32, #tpu.memory_space<vmem>>
    %dma_start3A_199 = tpu.memref_slice %arg2[%mul3A_193] : memref<100000xi32, #tpu.memory_space<hbm>> -> memref<128xi32, #tpu.memory_space<hbm>>
    tpu.enqueue_dma source(%dma_start3A_199 : memref<128xi32, #tpu.memory_space<hbm>>) target(%dma_start3A_198 : memref<128xi32, #tpu.memory_space<vmem>>) target_semaphore(%arg10 : memref<!tpu.dma_semaphore, #tpu.memory_space<semaphore_mem>>)
    %add3A_200 = arith.constant 640 : i32
    %add3A_201 = arith.addi %add3A, %add3A_200 : i32
    %mul3A_202 = arith.constant 128 : i32
    %mul3A_203 = arith.muli %add3A_201, %mul3A_202 : i32
    %dma_start3A_204 = arith.constant 2560 : i32
    %dma_start3A_205 = tpu.memref_slice %arg5[%dma_start3A_204] : memref<3200xi32, #tpu.memory_space<vmem>> -> memref<128xi32, #tpu.memory_space<vmem>>
    %dma_start3A_206 = tpu.memref_slice %arg2[%mul3A_203] : memref<100000xi32, #tpu.memory_space<hbm>> -> memref<128xi32, #tpu.memory_space<hbm>>
    %dma_start3A_207 = arith.constant 2560 : i32
    %dma_start3A_208 = tpu.memref_slice %arg5[%dma_start3A_207] : memref<3200xi32, #tpu.memory_space<vmem>> -> memref<128xi32, #tpu.memory_space<vmem>>
    %dma_start3A_209 = tpu.memref_slice %arg2[%mul3A_203] : memref<100000xi32, #tpu.memory_space<hbm>> -> memref<128xi32, #tpu.memory_space<hbm>>
    tpu.enqueue_dma source(%dma_start3A_209 : memref<128xi32, #tpu.memory_space<hbm>>) target(%dma_start3A_208 : memref<128xi32, #tpu.memory_space<vmem>>) target_semaphore(%arg10 : memref<!tpu.dma_semaphore, #tpu.memory_space<semaphore_mem>>)
    %add3A_210 = arith.constant 672 : i32
    %add3A_211 = arith.addi %add3A, %add3A_210 : i32
    %mul3A_212 = arith.constant 128 : i32
    %mul3A_213 = arith.muli %add3A_211, %mul3A_212 : i32
    %dma_start3A_214 = arith.constant 2688 : i32
    %dma_start3A_215 = tpu.memref_slice %arg5[%dma_start3A_214] : memref<3200xi32, #tpu.memory_space<vmem>> -> memref<128xi32, #tpu.memory_space<vmem>>
    %dma_start3A_216 = tpu.memref_slice %arg2[%mul3A_213] : memref<100000xi32, #tpu.memory_space<hbm>> -> memref<128xi32, #tpu.memory_space<hbm>>
    %dma_start3A_217 = arith.constant 2688 : i32
    %dma_start3A_218 = tpu.memref_slice %arg5[%dma_start3A_217] : memref<3200xi32, #tpu.memory_space<vmem>> -> memref<128xi32, #tpu.memory_space<vmem>>
    %dma_start3A_219 = tpu.memref_slice %arg2[%mul3A_213] : memref<100000xi32, #tpu.memory_space<hbm>> -> memref<128xi32, #tpu.memory_space<hbm>>
    tpu.enqueue_dma source(%dma_start3A_219 : memref<128xi32, #tpu.memory_space<hbm>>) target(%dma_start3A_218 : memref<128xi32, #tpu.memory_space<vmem>>) target_semaphore(%arg10 : memref<!tpu.dma_semaphore, #tpu.memory_space<semaphore_mem>>)
    %add3A_220 = arith.constant 704 : i32
    %add3A_221 = arith.addi %add3A, %add3A_220 : i32
    %mul3A_222 = arith.constant 128 : i32
    %mul3A_223 = arith.muli %add3A_221, %mul3A_222 : i32
    %dma_start3A_224 = arith.constant 2816 : i32
    %dma_start3A_225 = tpu.memref_slice %arg5[%dma_start3A_224] : memref<3200xi32, #tpu.memory_space<vmem>> -> memref<128xi32, #tpu.memory_space<vmem>>
    %dma_start3A_226 = tpu.memref_slice %arg2[%mul3A_223] : memref<100000xi32, #tpu.memory_space<hbm>> -> memref<128xi32, #tpu.memory_space<hbm>>
    %dma_start3A_227 = arith.constant 2816 : i32
    %dma_start3A_228 = tpu.memref_slice %arg5[%dma_start3A_227] : memref<3200xi32, #tpu.memory_space<vmem>> -> memref<128xi32, #tpu.memory_space<vmem>>
    %dma_start3A_229 = tpu.memref_slice %arg2[%mul3A_223] : memref<100000xi32, #tpu.memory_space<hbm>> -> memref<128xi32, #tpu.memory_space<hbm>>
    tpu.enqueue_dma source(%dma_start3A_229 : memref<128xi32, #tpu.memory_space<hbm>>) target(%dma_start3A_228 : memref<128xi32, #tpu.memory_space<vmem>>) target_semaphore(%arg10 : memref<!tpu.dma_semaphore, #tpu.memory_space<semaphore_mem>>)
    %add3A_230 = arith.constant 736 : i32
    %add3A_231 = arith.addi %add3A, %add3A_230 : i32
    %mul3A_232 = arith.constant 128 : i32
    %mul3A_233 = arith.muli %add3A_231, %mul3A_232 : i32
    %dma_start3A_234 = arith.constant 2944 : i32
    %dma_start3A_235 = tpu.memref_slice %arg5[%dma_start3A_234] : memref<3200xi32, #tpu.memory_space<vmem>> -> memref<128xi32, #tpu.memory_space<vmem>>
    %dma_start3A_236 = tpu.memref_slice %arg2[%mul3A_233] : memref<100000xi32, #tpu.memory_space<hbm>> -> memref<128xi32, #tpu.memory_space<hbm>>
    %dma_start3A_237 = arith.constant 2944 : i32
    %dma_start3A_238 = tpu.memref_slice %arg5[%dma_start3A_237] : memref<3200xi32, #tpu.memory_space<vmem>> -> memref<128xi32, #tpu.memory_space<vmem>>
    %dma_start3A_239 = tpu.memref_slice %arg2[%mul3A_233] : memref<100000xi32, #tpu.memory_space<hbm>> -> memref<128xi32, #tpu.memory_space<hbm>>
    tpu.enqueue_dma source(%dma_start3A_239 : memref<128xi32, #tpu.memory_space<hbm>>) target(%dma_start3A_238 : memref<128xi32, #tpu.memory_space<vmem>>) target_semaphore(%arg10 : memref<!tpu.dma_semaphore, #tpu.memory_space<semaphore_mem>>)
    %eq3A = arith.constant 0 : i32
    %eq3A_240 = arith.cmpi eq, %arg1, %eq3A : i32
    %convert_element_type3A = arith.extui %eq3A_240 : i1 to i32
    %cond3A = arith.constant 0 : i32
    %cond3A_241 = arith.cmpi ne, %convert_element_type3A, %cond3A : i32
    scf.if %cond3A_241 {
      "tpu.region"() ({
        %run_scoped3A = tpu.sem_alloc : memref<!tpu.dma_semaphore, #tpu.memory_space<semaphore_mem>>
        tpu.enqueue_dma source(%arg3 : memref<37x128xf32, #tpu.memory_space<hbm>>) target(%arg9 : memref<37x128xf32, #tpu.memory_space<vmem_shared>>) target_semaphore(%run_scoped3A : memref<!tpu.dma_semaphore, #tpu.memory_space<semaphore_mem>>)
        tpu.wait_dma2 semaphore(%run_scoped3A : memref<!tpu.dma_semaphore, #tpu.memory_space<semaphore_mem>>) src(%arg3 : memref<37x128xf32, #tpu.memory_space<hbm>>) dst(%arg9 : memref<37x128xf32, #tpu.memory_space<vmem_shared>>)
        tpu.yield
      }) : () -> ()
    } else {
    }
    %lt3A = arith.constant 13 : i32
    %lt3A_242 = arith.cmpi slt, %add3A, %lt3A : i32
    %convert_element_type3A_243 = arith.extui %lt3A_242 : i1 to i32
    %cond3A_244 = arith.constant 0 : i32
    %cond3A_245 = arith.cmpi ne, %convert_element_type3A_243, %cond3A_244 : i32
    scf.if %cond3A_245 {
      %add3A_760 = arith.constant 768 : i32
      %add3A_761 = arith.addi %add3A, %add3A_760 : i32
      %mul3A_762 = arith.constant 128 : i32
      %mul3A_763 = arith.muli %add3A_761, %mul3A_762 : i32
      "tpu.region"() ({
        %run_scoped3A = tpu.sem_alloc : memref<!tpu.dma_semaphore, #tpu.memory_space<semaphore_mem>>
        %dma_start3A_764 = arith.constant 3072 : i32
        %dma_start3A_765 = tpu.memref_slice %arg5[%dma_start3A_764] : memref<3200xi32, #tpu.memory_space<vmem>> -> memref<128xi32, #tpu.memory_space<vmem>>
        %dma_start3A_766 = tpu.memref_slice %arg2[%mul3A_763] : memref<100000xi32, #tpu.memory_space<hbm>> -> memref<128xi32, #tpu.memory_space<hbm>>
        %dma_start3A_767 = arith.constant 3072 : i32
        %dma_start3A_768 = tpu.memref_slice %arg5[%dma_start3A_767] : memref<3200xi32, #tpu.memory_space<vmem>> -> memref<128xi32, #tpu.memory_space<vmem>>
        %dma_start3A_769 = tpu.memref_slice %arg2[%mul3A_763] : memref<100000xi32, #tpu.memory_space<hbm>> -> memref<128xi32, #tpu.memory_space<hbm>>
        tpu.enqueue_dma source(%dma_start3A_769 : memref<128xi32, #tpu.memory_space<hbm>>) target(%dma_start3A_768 : memref<128xi32, #tpu.memory_space<vmem>>) target_semaphore(%run_scoped3A : memref<!tpu.dma_semaphore, #tpu.memory_space<semaphore_mem>>)
        %dma_wait3A_770 = arith.constant 3072 : i32
        %dma_wait3A_771 = tpu.memref_slice %arg5[%dma_wait3A_770] : memref<3200xi32, #tpu.memory_space<vmem>> -> memref<128xi32, #tpu.memory_space<vmem>>
        %dma_wait3A_772 = tpu.memref_slice %arg2[%mul3A_763] : memref<100000xi32, #tpu.memory_space<hbm>> -> memref<128xi32, #tpu.memory_space<hbm>>
        %dma_wait3A_773 = arith.constant 3072 : i32
        %dma_wait3A_774 = tpu.memref_slice %arg5[%dma_wait3A_773] : memref<3200xi32, #tpu.memory_space<vmem>> -> memref<128xi32, #tpu.memory_space<vmem>>
        %dma_wait3A_775 = tpu.memref_slice %arg2[%mul3A_763] : memref<100000xi32, #tpu.memory_space<hbm>> -> memref<128xi32, #tpu.memory_space<hbm>>
        tpu.wait_dma2 semaphore(%run_scoped3A : memref<!tpu.dma_semaphore, #tpu.memory_space<semaphore_mem>>) src(%dma_wait3A_775 : memref<128xi32, #tpu.memory_space<hbm>>) dst(%dma_wait3A_774 : memref<128xi32, #tpu.memory_space<vmem>>)
        tpu.yield
      }) : () -> ()
    } else {
    }
    %dma_wait3A = arith.constant 0 : i32
    %dma_wait3A_246 = tpu.memref_slice %arg5[%dma_wait3A] : memref<3200xi32, #tpu.memory_space<vmem>> -> memref<128xi32, #tpu.memory_space<vmem>>
    %dma_wait3A_247 = tpu.memref_slice %arg2[%mul3A_4] : memref<100000xi32, #tpu.memory_space<hbm>> -> memref<128xi32, #tpu.memory_space<hbm>>
    %dma_wait3A_248 = arith.constant 0 : i32
    %dma_wait3A_249 = tpu.memref_slice %arg5[%dma_wait3A_248] : memref<3200xi32, #tpu.memory_space<vmem>> -> memref<128xi32, #tpu.memory_space<vmem>>
    %dma_wait3A_250 = tpu.memref_slice %arg2[%mul3A_4] : memref<100000xi32, #tpu.memory_space<hbm>> -> memref<128xi32, #tpu.memory_space<hbm>>
    tpu.wait_dma2 semaphore(%arg10 : memref<!tpu.dma_semaphore, #tpu.memory_space<semaphore_mem>>) src(%dma_wait3A_250 : memref<128xi32, #tpu.memory_space<hbm>>) dst(%dma_wait3A_249 : memref<128xi32, #tpu.memory_space<vmem>>)
    %dma_wait3A_251 = arith.constant 128 : i32
    %dma_wait3A_252 = tpu.memref_slice %arg5[%dma_wait3A_251] : memref<3200xi32, #tpu.memory_space<vmem>> -> memref<128xi32, #tpu.memory_space<vmem>>
    %dma_wait3A_253 = tpu.memref_slice %arg2[%mul3A_13] : memref<100000xi32, #tpu.memory_space<hbm>> -> memref<128xi32, #tpu.memory_space<hbm>>
    %dma_wait3A_254 = arith.constant 128 : i32
    %dma_wait3A_255 = tpu.memref_slice %arg5[%dma_wait3A_254] : memref<3200xi32, #tpu.memory_space<vmem>> -> memref<128xi32, #tpu.memory_space<vmem>>
    %dma_wait3A_256 = tpu.memref_slice %arg2[%mul3A_13] : memref<100000xi32, #tpu.memory_space<hbm>> -> memref<128xi32, #tpu.memory_space<hbm>>
    tpu.wait_dma2 semaphore(%arg10 : memref<!tpu.dma_semaphore, #tpu.memory_space<semaphore_mem>>) src(%dma_wait3A_256 : memref<128xi32, #tpu.memory_space<hbm>>) dst(%dma_wait3A_255 : memref<128xi32, #tpu.memory_space<vmem>>)
    %dma_wait3A_257 = arith.constant 256 : i32
    %dma_wait3A_258 = tpu.memref_slice %arg5[%dma_wait3A_257] : memref<3200xi32, #tpu.memory_space<vmem>> -> memref<128xi32, #tpu.memory_space<vmem>>
    %dma_wait3A_259 = tpu.memref_slice %arg2[%mul3A_23] : memref<100000xi32, #tpu.memory_space<hbm>> -> memref<128xi32, #tpu.memory_space<hbm>>
    %dma_wait3A_260 = arith.constant 256 : i32
    %dma_wait3A_261 = tpu.memref_slice %arg5[%dma_wait3A_260] : memref<3200xi32, #tpu.memory_space<vmem>> -> memref<128xi32, #tpu.memory_space<vmem>>
    %dma_wait3A_262 = tpu.memref_slice %arg2[%mul3A_23] : memref<100000xi32, #tpu.memory_space<hbm>> -> memref<128xi32, #tpu.memory_space<hbm>>
    tpu.wait_dma2 semaphore(%arg10 : memref<!tpu.dma_semaphore, #tpu.memory_space<semaphore_mem>>) src(%dma_wait3A_262 : memref<128xi32, #tpu.memory_space<hbm>>) dst(%dma_wait3A_261 : memref<128xi32, #tpu.memory_space<vmem>>)
    %dma_wait3A_263 = arith.constant 384 : i32
    %dma_wait3A_264 = tpu.memref_slice %arg5[%dma_wait3A_263] : memref<3200xi32, #tpu.memory_space<vmem>> -> memref<128xi32, #tpu.memory_space<vmem>>
    %dma_wait3A_265 = tpu.memref_slice %arg2[%mul3A_33] : memref<100000xi32, #tpu.memory_space<hbm>> -> memref<128xi32, #tpu.memory_space<hbm>>
    %dma_wait3A_266 = arith.constant 384 : i32
    %dma_wait3A_267 = tpu.memref_slice %arg5[%dma_wait3A_266] : memref<3200xi32, #tpu.memory_space<vmem>> -> memref<128xi32, #tpu.memory_space<vmem>>
    %dma_wait3A_268 = tpu.memref_slice %arg2[%mul3A_33] : memref<100000xi32, #tpu.memory_space<hbm>> -> memref<128xi32, #tpu.memory_space<hbm>>
    tpu.wait_dma2 semaphore(%arg10 : memref<!tpu.dma_semaphore, #tpu.memory_space<semaphore_mem>>) src(%dma_wait3A_268 : memref<128xi32, #tpu.memory_space<hbm>>) dst(%dma_wait3A_267 : memref<128xi32, #tpu.memory_space<vmem>>)
    %dma_wait3A_269 = arith.constant 512 : i32
    %dma_wait3A_270 = tpu.memref_slice %arg5[%dma_wait3A_269] : memref<3200xi32, #tpu.memory_space<vmem>> -> memref<128xi32, #tpu.memory_space<vmem>>
    %dma_wait3A_271 = tpu.memref_slice %arg2[%mul3A_43] : memref<100000xi32, #tpu.memory_space<hbm>> -> memref<128xi32, #tpu.memory_space<hbm>>
    %dma_wait3A_272 = arith.constant 512 : i32
    %dma_wait3A_273 = tpu.memref_slice %arg5[%dma_wait3A_272] : memref<3200xi32, #tpu.memory_space<vmem>> -> memref<128xi32, #tpu.memory_space<vmem>>
    %dma_wait3A_274 = tpu.memref_slice %arg2[%mul3A_43] : memref<100000xi32, #tpu.memory_space<hbm>> -> memref<128xi32, #tpu.memory_space<hbm>>
    tpu.wait_dma2 semaphore(%arg10 : memref<!tpu.dma_semaphore, #tpu.memory_space<semaphore_mem>>) src(%dma_wait3A_274 : memref<128xi32, #tpu.memory_space<hbm>>) dst(%dma_wait3A_273 : memref<128xi32, #tpu.memory_space<vmem>>)
    %dma_wait3A_275 = arith.constant 640 : i32
    %dma_wait3A_276 = tpu.memref_slice %arg5[%dma_wait3A_275] : memref<3200xi32, #tpu.memory_space<vmem>> -> memref<128xi32, #tpu.memory_space<vmem>>
    %dma_wait3A_277 = tpu.memref_slice %arg2[%mul3A_53] : memref<100000xi32, #tpu.memory_space<hbm>> -> memref<128xi32, #tpu.memory_space<hbm>>
    %dma_wait3A_278 = arith.constant 640 : i32
    %dma_wait3A_279 = tpu.memref_slice %arg5[%dma_wait3A_278] : memref<3200xi32, #tpu.memory_space<vmem>> -> memref<128xi32, #tpu.memory_space<vmem>>
    %dma_wait3A_280 = tpu.memref_slice %arg2[%mul3A_53] : memref<100000xi32, #tpu.memory_space<hbm>> -> memref<128xi32, #tpu.memory_space<hbm>>
    tpu.wait_dma2 semaphore(%arg10 : memref<!tpu.dma_semaphore, #tpu.memory_space<semaphore_mem>>) src(%dma_wait3A_280 : memref<128xi32, #tpu.memory_space<hbm>>) dst(%dma_wait3A_279 : memref<128xi32, #tpu.memory_space<vmem>>)
    %dma_wait3A_281 = arith.constant 768 : i32
    %dma_wait3A_282 = tpu.memref_slice %arg5[%dma_wait3A_281] : memref<3200xi32, #tpu.memory_space<vmem>> -> memref<128xi32, #tpu.memory_space<vmem>>
    %dma_wait3A_283 = tpu.memref_slice %arg2[%mul3A_63] : memref<100000xi32, #tpu.memory_space<hbm>> -> memref<128xi32, #tpu.memory_space<hbm>>
    %dma_wait3A_284 = arith.constant 768 : i32
    %dma_wait3A_285 = tpu.memref_slice %arg5[%dma_wait3A_284] : memref<3200xi32, #tpu.memory_space<vmem>> -> memref<128xi32, #tpu.memory_space<vmem>>
    %dma_wait3A_286 = tpu.memref_slice %arg2[%mul3A_63] : memref<100000xi32, #tpu.memory_space<hbm>> -> memref<128xi32, #tpu.memory_space<hbm>>
    tpu.wait_dma2 semaphore(%arg10 : memref<!tpu.dma_semaphore, #tpu.memory_space<semaphore_mem>>) src(%dma_wait3A_286 : memref<128xi32, #tpu.memory_space<hbm>>) dst(%dma_wait3A_285 : memref<128xi32, #tpu.memory_space<vmem>>)
    %dma_wait3A_287 = arith.constant 896 : i32
    %dma_wait3A_288 = tpu.memref_slice %arg5[%dma_wait3A_287] : memref<3200xi32, #tpu.memory_space<vmem>> -> memref<128xi32, #tpu.memory_space<vmem>>
    %dma_wait3A_289 = tpu.memref_slice %arg2[%mul3A_73] : memref<100000xi32, #tpu.memory_space<hbm>> -> memref<128xi32, #tpu.memory_space<hbm>>
    %dma_wait3A_290 = arith.constant 896 : i32
    %dma_wait3A_291 = tpu.memref_slice %arg5[%dma_wait3A_290] : memref<3200xi32, #tpu.memory_space<vmem>> -> memref<128xi32, #tpu.memory_space<vmem>>
    %dma_wait3A_292 = tpu.memref_slice %arg2[%mul3A_73] : memref<100000xi32, #tpu.memory_space<hbm>> -> memref<128xi32, #tpu.memory_space<hbm>>
    tpu.wait_dma2 semaphore(%arg10 : memref<!tpu.dma_semaphore, #tpu.memory_space<semaphore_mem>>) src(%dma_wait3A_292 : memref<128xi32, #tpu.memory_space<hbm>>) dst(%dma_wait3A_291 : memref<128xi32, #tpu.memory_space<vmem>>)
    %dma_wait3A_293 = arith.constant 1024 : i32
    %dma_wait3A_294 = tpu.memref_slice %arg5[%dma_wait3A_293] : memref<3200xi32, #tpu.memory_space<vmem>> -> memref<128xi32, #tpu.memory_space<vmem>>
    %dma_wait3A_295 = tpu.memref_slice %arg2[%mul3A_83] : memref<100000xi32, #tpu.memory_space<hbm>> -> memref<128xi32, #tpu.memory_space<hbm>>
    %dma_wait3A_296 = arith.constant 1024 : i32
    %dma_wait3A_297 = tpu.memref_slice %arg5[%dma_wait3A_296] : memref<3200xi32, #tpu.memory_space<vmem>> -> memref<128xi32, #tpu.memory_space<vmem>>
    %dma_wait3A_298 = tpu.memref_slice %arg2[%mul3A_83] : memref<100000xi32, #tpu.memory_space<hbm>> -> memref<128xi32, #tpu.memory_space<hbm>>
    tpu.wait_dma2 semaphore(%arg10 : memref<!tpu.dma_semaphore, #tpu.memory_space<semaphore_mem>>) src(%dma_wait3A_298 : memref<128xi32, #tpu.memory_space<hbm>>) dst(%dma_wait3A_297 : memref<128xi32, #tpu.memory_space<vmem>>)
    %dma_wait3A_299 = arith.constant 1152 : i32
    %dma_wait3A_300 = tpu.memref_slice %arg5[%dma_wait3A_299] : memref<3200xi32, #tpu.memory_space<vmem>> -> memref<128xi32, #tpu.memory_space<vmem>>
    %dma_wait3A_301 = tpu.memref_slice %arg2[%mul3A_93] : memref<100000xi32, #tpu.memory_space<hbm>> -> memref<128xi32, #tpu.memory_space<hbm>>
    %dma_wait3A_302 = arith.constant 1152 : i32
    %dma_wait3A_303 = tpu.memref_slice %arg5[%dma_wait3A_302] : memref<3200xi32, #tpu.memory_space<vmem>> -> memref<128xi32, #tpu.memory_space<vmem>>
    %dma_wait3A_304 = tpu.memref_slice %arg2[%mul3A_93] : memref<100000xi32, #tpu.memory_space<hbm>> -> memref<128xi32, #tpu.memory_space<hbm>>
    tpu.wait_dma2 semaphore(%arg10 : memref<!tpu.dma_semaphore, #tpu.memory_space<semaphore_mem>>) src(%dma_wait3A_304 : memref<128xi32, #tpu.memory_space<hbm>>) dst(%dma_wait3A_303 : memref<128xi32, #tpu.memory_space<vmem>>)
    %dma_wait3A_305 = arith.constant 1280 : i32
    %dma_wait3A_306 = tpu.memref_slice %arg5[%dma_wait3A_305] : memref<3200xi32, #tpu.memory_space<vmem>> -> memref<128xi32, #tpu.memory_space<vmem>>
    %dma_wait3A_307 = tpu.memref_slice %arg2[%mul3A_103] : memref<100000xi32, #tpu.memory_space<hbm>> -> memref<128xi32, #tpu.memory_space<hbm>>
    %dma_wait3A_308 = arith.constant 1280 : i32
    %dma_wait3A_309 = tpu.memref_slice %arg5[%dma_wait3A_308] : memref<3200xi32, #tpu.memory_space<vmem>> -> memref<128xi32, #tpu.memory_space<vmem>>
    %dma_wait3A_310 = tpu.memref_slice %arg2[%mul3A_103] : memref<100000xi32, #tpu.memory_space<hbm>> -> memref<128xi32, #tpu.memory_space<hbm>>
    tpu.wait_dma2 semaphore(%arg10 : memref<!tpu.dma_semaphore, #tpu.memory_space<semaphore_mem>>) src(%dma_wait3A_310 : memref<128xi32, #tpu.memory_space<hbm>>) dst(%dma_wait3A_309 : memref<128xi32, #tpu.memory_space<vmem>>)
    %dma_wait3A_311 = arith.constant 1408 : i32
    %dma_wait3A_312 = tpu.memref_slice %arg5[%dma_wait3A_311] : memref<3200xi32, #tpu.memory_space<vmem>> -> memref<128xi32, #tpu.memory_space<vmem>>
    %dma_wait3A_313 = tpu.memref_slice %arg2[%mul3A_113] : memref<100000xi32, #tpu.memory_space<hbm>> -> memref<128xi32, #tpu.memory_space<hbm>>
    %dma_wait3A_314 = arith.constant 1408 : i32
    %dma_wait3A_315 = tpu.memref_slice %arg5[%dma_wait3A_314] : memref<3200xi32, #tpu.memory_space<vmem>> -> memref<128xi32, #tpu.memory_space<vmem>>
    %dma_wait3A_316 = tpu.memref_slice %arg2[%mul3A_113] : memref<100000xi32, #tpu.memory_space<hbm>> -> memref<128xi32, #tpu.memory_space<hbm>>
    tpu.wait_dma2 semaphore(%arg10 : memref<!tpu.dma_semaphore, #tpu.memory_space<semaphore_mem>>) src(%dma_wait3A_316 : memref<128xi32, #tpu.memory_space<hbm>>) dst(%dma_wait3A_315 : memref<128xi32, #tpu.memory_space<vmem>>)
    %dma_wait3A_317 = arith.constant 1536 : i32
    %dma_wait3A_318 = tpu.memref_slice %arg5[%dma_wait3A_317] : memref<3200xi32, #tpu.memory_space<vmem>> -> memref<128xi32, #tpu.memory_space<vmem>>
    %dma_wait3A_319 = tpu.memref_slice %arg2[%mul3A_123] : memref<100000xi32, #tpu.memory_space<hbm>> -> memref<128xi32, #tpu.memory_space<hbm>>
    %dma_wait3A_320 = arith.constant 1536 : i32
    %dma_wait3A_321 = tpu.memref_slice %arg5[%dma_wait3A_320] : memref<3200xi32, #tpu.memory_space<vmem>> -> memref<128xi32, #tpu.memory_space<vmem>>
    %dma_wait3A_322 = tpu.memref_slice %arg2[%mul3A_123] : memref<100000xi32, #tpu.memory_space<hbm>> -> memref<128xi32, #tpu.memory_space<hbm>>
    tpu.wait_dma2 semaphore(%arg10 : memref<!tpu.dma_semaphore, #tpu.memory_space<semaphore_mem>>) src(%dma_wait3A_322 : memref<128xi32, #tpu.memory_space<hbm>>) dst(%dma_wait3A_321 : memref<128xi32, #tpu.memory_space<vmem>>)
    %dma_wait3A_323 = arith.constant 1664 : i32
    %dma_wait3A_324 = tpu.memref_slice %arg5[%dma_wait3A_323] : memref<3200xi32, #tpu.memory_space<vmem>> -> memref<128xi32, #tpu.memory_space<vmem>>
    %dma_wait3A_325 = tpu.memref_slice %arg2[%mul3A_133] : memref<100000xi32, #tpu.memory_space<hbm>> -> memref<128xi32, #tpu.memory_space<hbm>>
    %dma_wait3A_326 = arith.constant 1664 : i32
    %dma_wait3A_327 = tpu.memref_slice %arg5[%dma_wait3A_326] : memref<3200xi32, #tpu.memory_space<vmem>> -> memref<128xi32, #tpu.memory_space<vmem>>
    %dma_wait3A_328 = tpu.memref_slice %arg2[%mul3A_133] : memref<100000xi32, #tpu.memory_space<hbm>> -> memref<128xi32, #tpu.memory_space<hbm>>
    tpu.wait_dma2 semaphore(%arg10 : memref<!tpu.dma_semaphore, #tpu.memory_space<semaphore_mem>>) src(%dma_wait3A_328 : memref<128xi32, #tpu.memory_space<hbm>>) dst(%dma_wait3A_327 : memref<128xi32, #tpu.memory_space<vmem>>)
    %dma_wait3A_329 = arith.constant 1792 : i32
    %dma_wait3A_330 = tpu.memref_slice %arg5[%dma_wait3A_329] : memref<3200xi32, #tpu.memory_space<vmem>> -> memref<128xi32, #tpu.memory_space<vmem>>
    %dma_wait3A_331 = tpu.memref_slice %arg2[%mul3A_143] : memref<100000xi32, #tpu.memory_space<hbm>> -> memref<128xi32, #tpu.memory_space<hbm>>
    %dma_wait3A_332 = arith.constant 1792 : i32
    %dma_wait3A_333 = tpu.memref_slice %arg5[%dma_wait3A_332] : memref<3200xi32, #tpu.memory_space<vmem>> -> memref<128xi32, #tpu.memory_space<vmem>>
    %dma_wait3A_334 = tpu.memref_slice %arg2[%mul3A_143] : memref<100000xi32, #tpu.memory_space<hbm>> -> memref<128xi32, #tpu.memory_space<hbm>>
    tpu.wait_dma2 semaphore(%arg10 : memref<!tpu.dma_semaphore, #tpu.memory_space<semaphore_mem>>) src(%dma_wait3A_334 : memref<128xi32, #tpu.memory_space<hbm>>) dst(%dma_wait3A_333 : memref<128xi32, #tpu.memory_space<vmem>>)
    %dma_wait3A_335 = arith.constant 1920 : i32
    %dma_wait3A_336 = tpu.memref_slice %arg5[%dma_wait3A_335] : memref<3200xi32, #tpu.memory_space<vmem>> -> memref<128xi32, #tpu.memory_space<vmem>>
    %dma_wait3A_337 = tpu.memref_slice %arg2[%mul3A_153] : memref<100000xi32, #tpu.memory_space<hbm>> -> memref<128xi32, #tpu.memory_space<hbm>>
    %dma_wait3A_338 = arith.constant 1920 : i32
    %dma_wait3A_339 = tpu.memref_slice %arg5[%dma_wait3A_338] : memref<3200xi32, #tpu.memory_space<vmem>> -> memref<128xi32, #tpu.memory_space<vmem>>
    %dma_wait3A_340 = tpu.memref_slice %arg2[%mul3A_153] : memref<100000xi32, #tpu.memory_space<hbm>> -> memref<128xi32, #tpu.memory_space<hbm>>
    tpu.wait_dma2 semaphore(%arg10 : memref<!tpu.dma_semaphore, #tpu.memory_space<semaphore_mem>>) src(%dma_wait3A_340 : memref<128xi32, #tpu.memory_space<hbm>>) dst(%dma_wait3A_339 : memref<128xi32, #tpu.memory_space<vmem>>)
    %dma_wait3A_341 = arith.constant 2048 : i32
    %dma_wait3A_342 = tpu.memref_slice %arg5[%dma_wait3A_341] : memref<3200xi32, #tpu.memory_space<vmem>> -> memref<128xi32, #tpu.memory_space<vmem>>
    %dma_wait3A_343 = tpu.memref_slice %arg2[%mul3A_163] : memref<100000xi32, #tpu.memory_space<hbm>> -> memref<128xi32, #tpu.memory_space<hbm>>
    %dma_wait3A_344 = arith.constant 2048 : i32
    %dma_wait3A_345 = tpu.memref_slice %arg5[%dma_wait3A_344] : memref<3200xi32, #tpu.memory_space<vmem>> -> memref<128xi32, #tpu.memory_space<vmem>>
    %dma_wait3A_346 = tpu.memref_slice %arg2[%mul3A_163] : memref<100000xi32, #tpu.memory_space<hbm>> -> memref<128xi32, #tpu.memory_space<hbm>>
    tpu.wait_dma2 semaphore(%arg10 : memref<!tpu.dma_semaphore, #tpu.memory_space<semaphore_mem>>) src(%dma_wait3A_346 : memref<128xi32, #tpu.memory_space<hbm>>) dst(%dma_wait3A_345 : memref<128xi32, #tpu.memory_space<vmem>>)
    %dma_wait3A_347 = arith.constant 2176 : i32
    %dma_wait3A_348 = tpu.memref_slice %arg5[%dma_wait3A_347] : memref<3200xi32, #tpu.memory_space<vmem>> -> memref<128xi32, #tpu.memory_space<vmem>>
    %dma_wait3A_349 = tpu.memref_slice %arg2[%mul3A_173] : memref<100000xi32, #tpu.memory_space<hbm>> -> memref<128xi32, #tpu.memory_space<hbm>>
    %dma_wait3A_350 = arith.constant 2176 : i32
    %dma_wait3A_351 = tpu.memref_slice %arg5[%dma_wait3A_350] : memref<3200xi32, #tpu.memory_space<vmem>> -> memref<128xi32, #tpu.memory_space<vmem>>
    %dma_wait3A_352 = tpu.memref_slice %arg2[%mul3A_173] : memref<100000xi32, #tpu.memory_space<hbm>> -> memref<128xi32, #tpu.memory_space<hbm>>
    tpu.wait_dma2 semaphore(%arg10 : memref<!tpu.dma_semaphore, #tpu.memory_space<semaphore_mem>>) src(%dma_wait3A_352 : memref<128xi32, #tpu.memory_space<hbm>>) dst(%dma_wait3A_351 : memref<128xi32, #tpu.memory_space<vmem>>)
    %dma_wait3A_353 = arith.constant 2304 : i32
    %dma_wait3A_354 = tpu.memref_slice %arg5[%dma_wait3A_353] : memref<3200xi32, #tpu.memory_space<vmem>> -> memref<128xi32, #tpu.memory_space<vmem>>
    %dma_wait3A_355 = tpu.memref_slice %arg2[%mul3A_183] : memref<100000xi32, #tpu.memory_space<hbm>> -> memref<128xi32, #tpu.memory_space<hbm>>
    %dma_wait3A_356 = arith.constant 2304 : i32
    %dma_wait3A_357 = tpu.memref_slice %arg5[%dma_wait3A_356] : memref<3200xi32, #tpu.memory_space<vmem>> -> memref<128xi32, #tpu.memory_space<vmem>>
    %dma_wait3A_358 = tpu.memref_slice %arg2[%mul3A_183] : memref<100000xi32, #tpu.memory_space<hbm>> -> memref<128xi32, #tpu.memory_space<hbm>>
    tpu.wait_dma2 semaphore(%arg10 : memref<!tpu.dma_semaphore, #tpu.memory_space<semaphore_mem>>) src(%dma_wait3A_358 : memref<128xi32, #tpu.memory_space<hbm>>) dst(%dma_wait3A_357 : memref<128xi32, #tpu.memory_space<vmem>>)
    %dma_wait3A_359 = arith.constant 2432 : i32
    %dma_wait3A_360 = tpu.memref_slice %arg5[%dma_wait3A_359] : memref<3200xi32, #tpu.memory_space<vmem>> -> memref<128xi32, #tpu.memory_space<vmem>>
    %dma_wait3A_361 = tpu.memref_slice %arg2[%mul3A_193] : memref<100000xi32, #tpu.memory_space<hbm>> -> memref<128xi32, #tpu.memory_space<hbm>>
    %dma_wait3A_362 = arith.constant 2432 : i32
    %dma_wait3A_363 = tpu.memref_slice %arg5[%dma_wait3A_362] : memref<3200xi32, #tpu.memory_space<vmem>> -> memref<128xi32, #tpu.memory_space<vmem>>
    %dma_wait3A_364 = tpu.memref_slice %arg2[%mul3A_193] : memref<100000xi32, #tpu.memory_space<hbm>> -> memref<128xi32, #tpu.memory_space<hbm>>
    tpu.wait_dma2 semaphore(%arg10 : memref<!tpu.dma_semaphore, #tpu.memory_space<semaphore_mem>>) src(%dma_wait3A_364 : memref<128xi32, #tpu.memory_space<hbm>>) dst(%dma_wait3A_363 : memref<128xi32, #tpu.memory_space<vmem>>)
    %dma_wait3A_365 = arith.constant 2560 : i32
    %dma_wait3A_366 = tpu.memref_slice %arg5[%dma_wait3A_365] : memref<3200xi32, #tpu.memory_space<vmem>> -> memref<128xi32, #tpu.memory_space<vmem>>
    %dma_wait3A_367 = tpu.memref_slice %arg2[%mul3A_203] : memref<100000xi32, #tpu.memory_space<hbm>> -> memref<128xi32, #tpu.memory_space<hbm>>
    %dma_wait3A_368 = arith.constant 2560 : i32
    %dma_wait3A_369 = tpu.memref_slice %arg5[%dma_wait3A_368] : memref<3200xi32, #tpu.memory_space<vmem>> -> memref<128xi32, #tpu.memory_space<vmem>>
    %dma_wait3A_370 = tpu.memref_slice %arg2[%mul3A_203] : memref<100000xi32, #tpu.memory_space<hbm>> -> memref<128xi32, #tpu.memory_space<hbm>>
    tpu.wait_dma2 semaphore(%arg10 : memref<!tpu.dma_semaphore, #tpu.memory_space<semaphore_mem>>) src(%dma_wait3A_370 : memref<128xi32, #tpu.memory_space<hbm>>) dst(%dma_wait3A_369 : memref<128xi32, #tpu.memory_space<vmem>>)
    %dma_wait3A_371 = arith.constant 2688 : i32
    %dma_wait3A_372 = tpu.memref_slice %arg5[%dma_wait3A_371] : memref<3200xi32, #tpu.memory_space<vmem>> -> memref<128xi32, #tpu.memory_space<vmem>>
    %dma_wait3A_373 = tpu.memref_slice %arg2[%mul3A_213] : memref<100000xi32, #tpu.memory_space<hbm>> -> memref<128xi32, #tpu.memory_space<hbm>>
    %dma_wait3A_374 = arith.constant 2688 : i32
    %dma_wait3A_375 = tpu.memref_slice %arg5[%dma_wait3A_374] : memref<3200xi32, #tpu.memory_space<vmem>> -> memref<128xi32, #tpu.memory_space<vmem>>
    %dma_wait3A_376 = tpu.memref_slice %arg2[%mul3A_213] : memref<100000xi32, #tpu.memory_space<hbm>> -> memref<128xi32, #tpu.memory_space<hbm>>
    tpu.wait_dma2 semaphore(%arg10 : memref<!tpu.dma_semaphore, #tpu.memory_space<semaphore_mem>>) src(%dma_wait3A_376 : memref<128xi32, #tpu.memory_space<hbm>>) dst(%dma_wait3A_375 : memref<128xi32, #tpu.memory_space<vmem>>)
    %dma_wait3A_377 = arith.constant 2816 : i32
    %dma_wait3A_378 = tpu.memref_slice %arg5[%dma_wait3A_377] : memref<3200xi32, #tpu.memory_space<vmem>> -> memref<128xi32, #tpu.memory_space<vmem>>
    %dma_wait3A_379 = tpu.memref_slice %arg2[%mul3A_223] : memref<100000xi32, #tpu.memory_space<hbm>> -> memref<128xi32, #tpu.memory_space<hbm>>
    %dma_wait3A_380 = arith.constant 2816 : i32
    %dma_wait3A_381 = tpu.memref_slice %arg5[%dma_wait3A_380] : memref<3200xi32, #tpu.memory_space<vmem>> -> memref<128xi32, #tpu.memory_space<vmem>>
    %dma_wait3A_382 = tpu.memref_slice %arg2[%mul3A_223] : memref<100000xi32, #tpu.memory_space<hbm>> -> memref<128xi32, #tpu.memory_space<hbm>>
    tpu.wait_dma2 semaphore(%arg10 : memref<!tpu.dma_semaphore, #tpu.memory_space<semaphore_mem>>) src(%dma_wait3A_382 : memref<128xi32, #tpu.memory_space<hbm>>) dst(%dma_wait3A_381 : memref<128xi32, #tpu.memory_space<vmem>>)
    %dma_wait3A_383 = arith.constant 2944 : i32
    %dma_wait3A_384 = tpu.memref_slice %arg5[%dma_wait3A_383] : memref<3200xi32, #tpu.memory_space<vmem>> -> memref<128xi32, #tpu.memory_space<vmem>>
    %dma_wait3A_385 = tpu.memref_slice %arg2[%mul3A_233] : memref<100000xi32, #tpu.memory_space<hbm>> -> memref<128xi32, #tpu.memory_space<hbm>>
    %dma_wait3A_386 = arith.constant 2944 : i32
    %dma_wait3A_387 = tpu.memref_slice %arg5[%dma_wait3A_386] : memref<3200xi32, #tpu.memory_space<vmem>> -> memref<128xi32, #tpu.memory_space<vmem>>
    %dma_wait3A_388 = tpu.memref_slice %arg2[%mul3A_233] : memref<100000xi32, #tpu.memory_space<hbm>> -> memref<128xi32, #tpu.memory_space<hbm>>
    tpu.wait_dma2 semaphore(%arg10 : memref<!tpu.dma_semaphore, #tpu.memory_space<semaphore_mem>>) src(%dma_wait3A_388 : memref<128xi32, #tpu.memory_space<hbm>>) dst(%dma_wait3A_387 : memref<128xi32, #tpu.memory_space<vmem>>)
    %barrier3A = arith.constant 0 : index
    tpu.barrier barrier_id(%barrier3A)
    %dma_start3A_389 = arith.constant 0 : i32
    %dma_start3A_390 = arith.constant 0 : i32
    %dma_start3A_391 = tpu.memref_slice %arg6[%dma_start3A_389, %dma_start3A_390] : memref<768x128xf32, #tpu.memory_space<vmem>> -> memref<128x128xf32, #tpu.memory_space<vmem>>
    %dma_start3A_392 = arith.constant 0 : i32
    %dma_start3A_393 = tpu.memref_slice %arg5[%dma_start3A_392] : memref<3200xi32, #tpu.memory_space<vmem>> -> memref<128xi32, #tpu.memory_space<vmem>>
    %dma_start3A_394 = arith.constant 0 : i32
    %dma_start3A_395 = arith.constant 0 : i32
    %dma_start3A_396 = tpu.memref_slice %arg9[%dma_start3A_394, %dma_start3A_395] : memref<37x128xf32, #tpu.memory_space<vmem_shared>> -> memref<37x128xf32, #tpu.memory_space<vmem_shared>>
    tpu.enqueue_indirect_dma source(%dma_start3A_396 : memref<37x128xf32, #tpu.memory_space<vmem_shared>>) target(%dma_start3A_391 : memref<128x128xf32, #tpu.memory_space<vmem>>) offsets(%dma_start3A_393 : memref<128xi32, #tpu.memory_space<vmem>>) semaphore(%arg12 : memref<!tpu.dma_semaphore, #tpu.memory_space<semaphore_mem>>)
    %dma_start3A_397 = arith.constant 128 : i32
    %dma_start3A_398 = arith.constant 0 : i32
    %dma_start3A_399 = tpu.memref_slice %arg6[%dma_start3A_397, %dma_start3A_398] : memref<768x128xf32, #tpu.memory_space<vmem>> -> memref<128x128xf32, #tpu.memory_space<vmem>>
    %dma_start3A_400 = arith.constant 128 : i32
    %dma_start3A_401 = tpu.memref_slice %arg5[%dma_start3A_400] : memref<3200xi32, #tpu.memory_space<vmem>> -> memref<128xi32, #tpu.memory_space<vmem>>
    %dma_start3A_402 = arith.constant 0 : i32
    %dma_start3A_403 = arith.constant 0 : i32
    %dma_start3A_404 = tpu.memref_slice %arg9[%dma_start3A_402, %dma_start3A_403] : memref<37x128xf32, #tpu.memory_space<vmem_shared>> -> memref<37x128xf32, #tpu.memory_space<vmem_shared>>
    tpu.enqueue_indirect_dma source(%dma_start3A_404 : memref<37x128xf32, #tpu.memory_space<vmem_shared>>) target(%dma_start3A_399 : memref<128x128xf32, #tpu.memory_space<vmem>>) offsets(%dma_start3A_401 : memref<128xi32, #tpu.memory_space<vmem>>) semaphore(%arg13 : memref<!tpu.dma_semaphore, #tpu.memory_space<semaphore_mem>>)
    %dma_start3A_405 = arith.constant 256 : i32
    %dma_start3A_406 = arith.constant 0 : i32
    %dma_start3A_407 = tpu.memref_slice %arg6[%dma_start3A_405, %dma_start3A_406] : memref<768x128xf32, #tpu.memory_space<vmem>> -> memref<128x128xf32, #tpu.memory_space<vmem>>
    %dma_start3A_408 = arith.constant 256 : i32
    %dma_start3A_409 = tpu.memref_slice %arg5[%dma_start3A_408] : memref<3200xi32, #tpu.memory_space<vmem>> -> memref<128xi32, #tpu.memory_space<vmem>>
    %dma_start3A_410 = arith.constant 0 : i32
    %dma_start3A_411 = arith.constant 0 : i32
    %dma_start3A_412 = tpu.memref_slice %arg9[%dma_start3A_410, %dma_start3A_411] : memref<37x128xf32, #tpu.memory_space<vmem_shared>> -> memref<37x128xf32, #tpu.memory_space<vmem_shared>>
    tpu.enqueue_indirect_dma source(%dma_start3A_412 : memref<37x128xf32, #tpu.memory_space<vmem_shared>>) target(%dma_start3A_407 : memref<128x128xf32, #tpu.memory_space<vmem>>) offsets(%dma_start3A_409 : memref<128xi32, #tpu.memory_space<vmem>>) semaphore(%arg14 : memref<!tpu.dma_semaphore, #tpu.memory_space<semaphore_mem>>)
    %dma_start3A_413 = arith.constant 384 : i32
    %dma_start3A_414 = arith.constant 0 : i32
    %dma_start3A_415 = tpu.memref_slice %arg6[%dma_start3A_413, %dma_start3A_414] : memref<768x128xf32, #tpu.memory_space<vmem>> -> memref<128x128xf32, #tpu.memory_space<vmem>>
    %dma_start3A_416 = arith.constant 384 : i32
    %dma_start3A_417 = tpu.memref_slice %arg5[%dma_start3A_416] : memref<3200xi32, #tpu.memory_space<vmem>> -> memref<128xi32, #tpu.memory_space<vmem>>
    %dma_start3A_418 = arith.constant 0 : i32
    %dma_start3A_419 = arith.constant 0 : i32
    %dma_start3A_420 = tpu.memref_slice %arg9[%dma_start3A_418, %dma_start3A_419] : memref<37x128xf32, #tpu.memory_space<vmem_shared>> -> memref<37x128xf32, #tpu.memory_space<vmem_shared>>
    tpu.enqueue_indirect_dma source(%dma_start3A_420 : memref<37x128xf32, #tpu.memory_space<vmem_shared>>) target(%dma_start3A_415 : memref<128x128xf32, #tpu.memory_space<vmem>>) offsets(%dma_start3A_417 : memref<128xi32, #tpu.memory_space<vmem>>) semaphore(%arg15 : memref<!tpu.dma_semaphore, #tpu.memory_space<semaphore_mem>>)
    %dma_start3A_421 = arith.constant 512 : i32
    %dma_start3A_422 = arith.constant 0 : i32
    %dma_start3A_423 = tpu.memref_slice %arg6[%dma_start3A_421, %dma_start3A_422] : memref<768x128xf32, #tpu.memory_space<vmem>> -> memref<128x128xf32, #tpu.memory_space<vmem>>
    %dma_start3A_424 = arith.constant 512 : i32
    %dma_start3A_425 = tpu.memref_slice %arg5[%dma_start3A_424] : memref<3200xi32, #tpu.memory_space<vmem>> -> memref<128xi32, #tpu.memory_space<vmem>>
    %dma_start3A_426 = arith.constant 0 : i32
    %dma_start3A_427 = arith.constant 0 : i32
    %dma_start3A_428 = tpu.memref_slice %arg9[%dma_start3A_426, %dma_start3A_427] : memref<37x128xf32, #tpu.memory_space<vmem_shared>> -> memref<37x128xf32, #tpu.memory_space<vmem_shared>>
    tpu.enqueue_indirect_dma source(%dma_start3A_428 : memref<37x128xf32, #tpu.memory_space<vmem_shared>>) target(%dma_start3A_423 : memref<128x128xf32, #tpu.memory_space<vmem>>) offsets(%dma_start3A_425 : memref<128xi32, #tpu.memory_space<vmem>>) semaphore(%arg16 : memref<!tpu.dma_semaphore, #tpu.memory_space<semaphore_mem>>)
    %dma_wait3A_429 = arith.constant 0 : i32
    %dma_wait3A_430 = arith.constant 0 : i32
    %dma_wait3A_431 = tpu.memref_slice %arg6[%dma_wait3A_429, %dma_wait3A_430] : memref<768x128xf32, #tpu.memory_space<vmem>> -> memref<128x128xf32, #tpu.memory_space<vmem>>
    %dma_wait3A_432 = arith.constant 0 : i32
    %dma_wait3A_433 = arith.constant 0 : i32
    %dma_wait3A_434 = tpu.memref_slice %arg4[%dma_wait3A_432, %dma_wait3A_433] : memref<100000x128xf32, #tpu.memory_space<hbm>> -> memref<128x128xf32, #tpu.memory_space<hbm>>
    %dma_wait3A_435 = arith.constant 0 : i32
    %dma_wait3A_436 = arith.constant 0 : i32
    %dma_wait3A_437 = tpu.memref_slice %arg6[%dma_wait3A_435, %dma_wait3A_436] : memref<768x128xf32, #tpu.memory_space<vmem>> -> memref<128x128xf32, #tpu.memory_space<vmem>>
    %dma_wait3A_438 = arith.constant 0 : i32
    %dma_wait3A_439 = arith.constant 0 : i32
    %dma_wait3A_440 = tpu.memref_slice %arg4[%dma_wait3A_438, %dma_wait3A_439] : memref<100000x128xf32, #tpu.memory_space<hbm>> -> memref<128x128xf32, #tpu.memory_space<hbm>>
    tpu.wait_dma2 semaphore(%arg12 : memref<!tpu.dma_semaphore, #tpu.memory_space<semaphore_mem>>) src(%dma_wait3A_440 : memref<128x128xf32, #tpu.memory_space<hbm>>) dst(%dma_wait3A_437 : memref<128x128xf32, #tpu.memory_space<vmem>>)
    %add3A_441 = arith.constant 0 : i32
    %add3A_442 = arith.addi %add3A, %add3A_441 : i32
    %mul3A_443 = arith.constant 128 : i32
    %mul3A_444 = arith.muli %add3A_442, %mul3A_443 : i32
    %dma_start3A_445 = arith.constant 0 : i32
    %dma_start3A_446 = arith.constant 0 : i32
    %dma_start3A_447 = tpu.memref_slice %arg6[%dma_start3A_445, %dma_start3A_446] : memref<768x128xf32, #tpu.memory_space<vmem>> -> memref<128x128xf32, #tpu.memory_space<vmem>>
    %dma_start3A_448 = arith.constant 0 : i32
    %dma_start3A_449 = tpu.memref_slice %arg4[%mul3A_444, %dma_start3A_448] : memref<100000x128xf32, #tpu.memory_space<hbm>> -> memref<128x128xf32, #tpu.memory_space<hbm>>
    %dma_start3A_450 = arith.constant 0 : i32
    %dma_start3A_451 = tpu.memref_slice %arg4[%mul3A_444, %dma_start3A_450] : memref<100000x128xf32, #tpu.memory_space<hbm>> -> memref<128x128xf32, #tpu.memory_space<hbm>>
    %dma_start3A_452 = arith.constant 0 : i32
    %dma_start3A_453 = arith.constant 0 : i32
    %dma_start3A_454 = tpu.memref_slice %arg6[%dma_start3A_452, %dma_start3A_453] : memref<768x128xf32, #tpu.memory_space<vmem>> -> memref<128x128xf32, #tpu.memory_space<vmem>>
    tpu.enqueue_dma source(%dma_start3A_454 : memref<128x128xf32, #tpu.memory_space<vmem>>) target(%dma_start3A_451 : memref<128x128xf32, #tpu.memory_space<hbm>>) target_semaphore(%arg18 : memref<!tpu.dma_semaphore, #tpu.memory_space<semaphore_mem>>)
    %dma_start3A_455 = arith.constant 640 : i32
    %dma_start3A_456 = arith.constant 0 : i32
    %dma_start3A_457 = tpu.memref_slice %arg6[%dma_start3A_455, %dma_start3A_456] : memref<768x128xf32, #tpu.memory_space<vmem>> -> memref<128x128xf32, #tpu.memory_space<vmem>>
    %dma_start3A_458 = arith.constant 640 : i32
    %dma_start3A_459 = tpu.memref_slice %arg5[%dma_start3A_458] : memref<3200xi32, #tpu.memory_space<vmem>> -> memref<128xi32, #tpu.memory_space<vmem>>
    %dma_start3A_460 = arith.constant 0 : i32
    %dma_start3A_461 = arith.constant 0 : i32
    %dma_start3A_462 = tpu.memref_slice %arg9[%dma_start3A_460, %dma_start3A_461] : memref<37x128xf32, #tpu.memory_space<vmem_shared>> -> memref<37x128xf32, #tpu.memory_space<vmem_shared>>
    tpu.enqueue_indirect_dma source(%dma_start3A_462 : memref<37x128xf32, #tpu.memory_space<vmem_shared>>) target(%dma_start3A_457 : memref<128x128xf32, #tpu.memory_space<vmem>>) offsets(%dma_start3A_459 : memref<128xi32, #tpu.memory_space<vmem>>) semaphore(%arg17 : memref<!tpu.dma_semaphore, #tpu.memory_space<semaphore_mem>>)
    %dma_wait3A_463 = arith.constant 128 : i32
    %dma_wait3A_464 = arith.constant 0 : i32
    %dma_wait3A_465 = tpu.memref_slice %arg6[%dma_wait3A_463, %dma_wait3A_464] : memref<768x128xf32, #tpu.memory_space<vmem>> -> memref<128x128xf32, #tpu.memory_space<vmem>>
    %dma_wait3A_466 = arith.constant 0 : i32
    %dma_wait3A_467 = arith.constant 0 : i32
    %dma_wait3A_468 = tpu.memref_slice %arg4[%dma_wait3A_466, %dma_wait3A_467] : memref<100000x128xf32, #tpu.memory_space<hbm>> -> memref<128x128xf32, #tpu.memory_space<hbm>>
    %dma_wait3A_469 = arith.constant 128 : i32
    %dma_wait3A_470 = arith.constant 0 : i32
    %dma_wait3A_471 = tpu.memref_slice %arg6[%dma_wait3A_469, %dma_wait3A_470] : memref<768x128xf32, #tpu.memory_space<vmem>> -> memref<128x128xf32, #tpu.memory_space<vmem>>
    %dma_wait3A_472 = arith.constant 0 : i32
    %dma_wait3A_473 = arith.constant 0 : i32
    %dma_wait3A_474 = tpu.memref_slice %arg4[%dma_wait3A_472, %dma_wait3A_473] : memref<100000x128xf32, #tpu.memory_space<hbm>> -> memref<128x128xf32, #tpu.memory_space<hbm>>
    tpu.wait_dma2 semaphore(%arg13 : memref<!tpu.dma_semaphore, #tpu.memory_space<semaphore_mem>>) src(%dma_wait3A_474 : memref<128x128xf32, #tpu.memory_space<hbm>>) dst(%dma_wait3A_471 : memref<128x128xf32, #tpu.memory_space<vmem>>)
    %add3A_475 = arith.constant 32 : i32
    %add3A_476 = arith.addi %add3A, %add3A_475 : i32
    %mul3A_477 = arith.constant 128 : i32
    %mul3A_478 = arith.muli %add3A_476, %mul3A_477 : i32
    %dma_start3A_479 = arith.constant 128 : i32
    %dma_start3A_480 = arith.constant 0 : i32
    %dma_start3A_481 = tpu.memref_slice %arg6[%dma_start3A_479, %dma_start3A_480] : memref<768x128xf32, #tpu.memory_space<vmem>> -> memref<128x128xf32, #tpu.memory_space<vmem>>
    %dma_start3A_482 = arith.constant 0 : i32
    %dma_start3A_483 = tpu.memref_slice %arg4[%mul3A_478, %dma_start3A_482] : memref<100000x128xf32, #tpu.memory_space<hbm>> -> memref<128x128xf32, #tpu.memory_space<hbm>>
    %dma_start3A_484 = arith.constant 0 : i32
    %dma_start3A_485 = tpu.memref_slice %arg4[%mul3A_478, %dma_start3A_484] : memref<100000x128xf32, #tpu.memory_space<hbm>> -> memref<128x128xf32, #tpu.memory_space<hbm>>
    %dma_start3A_486 = arith.constant 128 : i32
    %dma_start3A_487 = arith.constant 0 : i32
    %dma_start3A_488 = tpu.memref_slice %arg6[%dma_start3A_486, %dma_start3A_487] : memref<768x128xf32, #tpu.memory_space<vmem>> -> memref<128x128xf32, #tpu.memory_space<vmem>>
    tpu.enqueue_dma source(%dma_start3A_488 : memref<128x128xf32, #tpu.memory_space<vmem>>) target(%dma_start3A_485 : memref<128x128xf32, #tpu.memory_space<hbm>>) target_semaphore(%arg19 : memref<!tpu.dma_semaphore, #tpu.memory_space<semaphore_mem>>)
    %dma_wait3A_489 = arith.constant 0 : i32
    %dma_wait3A_490 = arith.constant 0 : i32
    %dma_wait3A_491 = tpu.memref_slice %arg6[%dma_wait3A_489, %dma_wait3A_490] : memref<768x128xf32, #tpu.memory_space<vmem>> -> memref<128x128xf32, #tpu.memory_space<vmem>>
    %dma_wait3A_492 = arith.constant 0 : i32
    %dma_wait3A_493 = arith.constant 0 : i32
    %dma_wait3A_494 = tpu.memref_slice %arg4[%dma_wait3A_492, %dma_wait3A_493] : memref<100000x128xf32, #tpu.memory_space<hbm>> -> memref<128x128xf32, #tpu.memory_space<hbm>>
    %dma_wait3A_495 = arith.constant 0 : i32
    %dma_wait3A_496 = arith.constant 0 : i32
    %dma_wait3A_497 = tpu.memref_slice %arg4[%dma_wait3A_495, %dma_wait3A_496] : memref<100000x128xf32, #tpu.memory_space<hbm>> -> memref<128x128xf32, #tpu.memory_space<hbm>>
    %dma_wait3A_498 = arith.constant 0 : i32
    %dma_wait3A_499 = arith.constant 0 : i32
    %dma_wait3A_500 = tpu.memref_slice %arg6[%dma_wait3A_498, %dma_wait3A_499] : memref<768x128xf32, #tpu.memory_space<vmem>> -> memref<128x128xf32, #tpu.memory_space<vmem>>
    tpu.wait_dma2 semaphore(%arg18 : memref<!tpu.dma_semaphore, #tpu.memory_space<semaphore_mem>>) src(%dma_wait3A_500 : memref<128x128xf32, #tpu.memory_space<vmem>>) dst(%dma_wait3A_497 : memref<128x128xf32, #tpu.memory_space<hbm>>)
    %dma_start3A_501 = arith.constant 0 : i32
    %dma_start3A_502 = arith.constant 0 : i32
    %dma_start3A_503 = tpu.memref_slice %arg6[%dma_start3A_501, %dma_start3A_502] : memref<768x128xf32, #tpu.memory_space<vmem>> -> memref<128x128xf32, #tpu.memory_space<vmem>>
    %dma_start3A_504 = arith.constant 768 : i32
    %dma_start3A_505 = tpu.memref_slice %arg5[%dma_start3A_504] : memref<3200xi32, #tpu.memory_space<vmem>> -> memref<128xi32, #tpu.memory_space<vmem>>
    %dma_start3A_506 = arith.constant 0 : i32
    %dma_start3A_507 = arith.constant 0 : i32
    %dma_start3A_508 = tpu.memref_slice %arg9[%dma_start3A_506, %dma_start3A_507] : memref<37x128xf32, #tpu.memory_space<vmem_shared>> -> memref<37x128xf32, #tpu.memory_space<vmem_shared>>
    tpu.enqueue_indirect_dma source(%dma_start3A_508 : memref<37x128xf32, #tpu.memory_space<vmem_shared>>) target(%dma_start3A_503 : memref<128x128xf32, #tpu.memory_space<vmem>>) offsets(%dma_start3A_505 : memref<128xi32, #tpu.memory_space<vmem>>) semaphore(%arg12 : memref<!tpu.dma_semaphore, #tpu.memory_space<semaphore_mem>>)
    %dma_wait3A_509 = arith.constant 256 : i32
    %dma_wait3A_510 = arith.constant 0 : i32
    %dma_wait3A_511 = tpu.memref_slice %arg6[%dma_wait3A_509, %dma_wait3A_510] : memref<768x128xf32, #tpu.memory_space<vmem>> -> memref<128x128xf32, #tpu.memory_space<vmem>>
    %dma_wait3A_512 = arith.constant 0 : i32
    %dma_wait3A_513 = arith.constant 0 : i32
    %dma_wait3A_514 = tpu.memref_slice %arg4[%dma_wait3A_512, %dma_wait3A_513] : memref<100000x128xf32, #tpu.memory_space<hbm>> -> memref<128x128xf32, #tpu.memory_space<hbm>>
    %dma_wait3A_515 = arith.constant 256 : i32
    %dma_wait3A_516 = arith.constant 0 : i32
    %dma_wait3A_517 = tpu.memref_slice %arg6[%dma_wait3A_515, %dma_wait3A_516] : memref<768x128xf32, #tpu.memory_space<vmem>> -> memref<128x128xf32, #tpu.memory_space<vmem>>
    %dma_wait3A_518 = arith.constant 0 : i32
    %dma_wait3A_519 = arith.constant 0 : i32
    %dma_wait3A_520 = tpu.memref_slice %arg4[%dma_wait3A_518, %dma_wait3A_519] : memref<100000x128xf32, #tpu.memory_space<hbm>> -> memref<128x128xf32, #tpu.memory_space<hbm>>
    tpu.wait_dma2 semaphore(%arg14 : memref<!tpu.dma_semaphore, #tpu.memory_space<semaphore_mem>>) src(%dma_wait3A_520 : memref<128x128xf32, #tpu.memory_space<hbm>>) dst(%dma_wait3A_517 : memref<128x128xf32, #tpu.memory_space<vmem>>)
    %add3A_521 = arith.constant 64 : i32
    %add3A_522 = arith.addi %add3A, %add3A_521 : i32
    %mul3A_523 = arith.constant 128 : i32
    %mul3A_524 = arith.muli %add3A_522, %mul3A_523 : i32
    %dma_start3A_525 = arith.constant 256 : i32
    %dma_start3A_526 = arith.constant 0 : i32
    %dma_start3A_527 = tpu.memref_slice %arg6[%dma_start3A_525, %dma_start3A_526] : memref<768x128xf32, #tpu.memory_space<vmem>> -> memref<128x128xf32, #tpu.memory_space<vmem>>
    %dma_start3A_528 = arith.constant 0 : i32
    %dma_start3A_529 = tpu.memref_slice %arg4[%mul3A_524, %dma_start3A_528] : memref<100000x128xf32, #tpu.memory_space<hbm>> -> memref<128x128xf32, #tpu.memory_space<hbm>>
    %dma_start3A_530 = arith.constant 0 : i32
    %dma_start3A_531 = tpu.memref_slice %arg4[%mul3A_524, %dma_start3A_530] : memref<100000x128xf32, #tpu.memory_space<hbm>> -> memref<128x128xf32, #tpu.memory_space<hbm>>
    %dma_start3A_532 = arith.constant 256 : i32
    %dma_start3A_533 = arith.constant 0 : i32
    %dma_start3A_534 = tpu.memref_slice %arg6[%dma_start3A_532, %dma_start3A_533] : memref<768x128xf32, #tpu.memory_space<vmem>> -> memref<128x128xf32, #tpu.memory_space<vmem>>
    tpu.enqueue_dma source(%dma_start3A_534 : memref<128x128xf32, #tpu.memory_space<vmem>>) target(%dma_start3A_531 : memref<128x128xf32, #tpu.memory_space<hbm>>) target_semaphore(%arg20 : memref<!tpu.dma_semaphore, #tpu.memory_space<semaphore_mem>>)
    %dma_wait3A_535 = arith.constant 128 : i32
    %dma_wait3A_536 = arith.constant 0 : i32
    %dma_wait3A_537 = tpu.memref_slice %arg6[%dma_wait3A_535, %dma_wait3A_536] : memref<768x128xf32, #tpu.memory_space<vmem>> -> memref<128x128xf32, #tpu.memory_space<vmem>>
    %dma_wait3A_538 = arith.constant 0 : i32
    %dma_wait3A_539 = arith.constant 0 : i32
    %dma_wait3A_540 = tpu.memref_slice %arg4[%dma_wait3A_538, %dma_wait3A_539] : memref<100000x128xf32, #tpu.memory_space<hbm>> -> memref<128x128xf32, #tpu.memory_space<hbm>>
    %dma_wait3A_541 = arith.constant 0 : i32
    %dma_wait3A_542 = arith.constant 0 : i32
    %dma_wait3A_543 = tpu.memref_slice %arg4[%dma_wait3A_541, %dma_wait3A_542] : memref<100000x128xf32, #tpu.memory_space<hbm>> -> memref<128x128xf32, #tpu.memory_space<hbm>>
    %dma_wait3A_544 = arith.constant 128 : i32
    %dma_wait3A_545 = arith.constant 0 : i32
    %dma_wait3A_546 = tpu.memref_slice %arg6[%dma_wait3A_544, %dma_wait3A_545] : memref<768x128xf32, #tpu.memory_space<vmem>> -> memref<128x128xf32, #tpu.memory_space<vmem>>
    tpu.wait_dma2 semaphore(%arg19 : memref<!tpu.dma_semaphore, #tpu.memory_space<semaphore_mem>>) src(%dma_wait3A_546 : memref<128x128xf32, #tpu.memory_space<vmem>>) dst(%dma_wait3A_543 : memref<128x128xf32, #tpu.memory_space<hbm>>)
    %dma_start3A_547 = arith.constant 128 : i32
    %dma_start3A_548 = arith.constant 0 : i32
    %dma_start3A_549 = tpu.memref_slice %arg6[%dma_start3A_547, %dma_start3A_548] : memref<768x128xf32, #tpu.memory_space<vmem>> -> memref<128x128xf32, #tpu.memory_space<vmem>>
    %dma_start3A_550 = arith.constant 896 : i32
    %dma_start3A_551 = tpu.memref_slice %arg5[%dma_start3A_550] : memref<3200xi32, #tpu.memory_space<vmem>> -> memref<128xi32, #tpu.memory_space<vmem>>
    %dma_start3A_552 = arith.constant 0 : i32
    %dma_start3A_553 = arith.constant 0 : i32
    %dma_start3A_554 = tpu.memref_slice %arg9[%dma_start3A_552, %dma_start3A_553] : memref<37x128xf32, #tpu.memory_space<vmem_shared>> -> memref<37x128xf32, #tpu.memory_space<vmem_shared>>
    tpu.enqueue_indirect_dma source(%dma_start3A_554 : memref<37x128xf32, #tpu.memory_space<vmem_shared>>) target(%dma_start3A_549 : memref<128x128xf32, #tpu.memory_space<vmem>>) offsets(%dma_start3A_551 : memref<128xi32, #tpu.memory_space<vmem>>) semaphore(%arg13 : memref<!tpu.dma_semaphore, #tpu.memory_space<semaphore_mem>>)
    %dma_wait3A_555 = arith.constant 384 : i32
    %dma_wait3A_556 = arith.constant 0 : i32
    %dma_wait3A_557 = tpu.memref_slice %arg6[%dma_wait3A_555, %dma_wait3A_556] : memref<768x128xf32, #tpu.memory_space<vmem>> -> memref<128x128xf32, #tpu.memory_space<vmem>>
    %dma_wait3A_558 = arith.constant 0 : i32
    %dma_wait3A_559 = arith.constant 0 : i32
    %dma_wait3A_560 = tpu.memref_slice %arg4[%dma_wait3A_558, %dma_wait3A_559] : memref<100000x128xf32, #tpu.memory_space<hbm>> -> memref<128x128xf32, #tpu.memory_space<hbm>>
    %dma_wait3A_561 = arith.constant 384 : i32
    %dma_wait3A_562 = arith.constant 0 : i32
    %dma_wait3A_563 = tpu.memref_slice %arg6[%dma_wait3A_561, %dma_wait3A_562] : memref<768x128xf32, #tpu.memory_space<vmem>> -> memref<128x128xf32, #tpu.memory_space<vmem>>
    %dma_wait3A_564 = arith.constant 0 : i32
    %dma_wait3A_565 = arith.constant 0 : i32
    %dma_wait3A_566 = tpu.memref_slice %arg4[%dma_wait3A_564, %dma_wait3A_565] : memref<100000x128xf32, #tpu.memory_space<hbm>> -> memref<128x128xf32, #tpu.memory_space<hbm>>
    tpu.wait_dma2 semaphore(%arg15 : memref<!tpu.dma_semaphore, #tpu.memory_space<semaphore_mem>>) src(%dma_wait3A_566 : memref<128x128xf32, #tpu.memory_space<hbm>>) dst(%dma_wait3A_563 : memref<128x128xf32, #tpu.memory_space<vmem>>)
    %add3A_567 = arith.constant 96 : i32
    %add3A_568 = arith.addi %add3A, %add3A_567 : i32
    %mul3A_569 = arith.constant 128 : i32
    %mul3A_570 = arith.muli %add3A_568, %mul3A_569 : i32
    %dma_start3A_571 = arith.constant 384 : i32
    %dma_start3A_572 = arith.constant 0 : i32
    %dma_start3A_573 = tpu.memref_slice %arg6[%dma_start3A_571, %dma_start3A_572] : memref<768x128xf32, #tpu.memory_space<vmem>> -> memref<128x128xf32, #tpu.memory_space<vmem>>
    %dma_start3A_574 = arith.constant 0 : i32
    %dma_start3A_575 = tpu.memref_slice %arg4[%mul3A_570, %dma_start3A_574] : memref<100000x128xf32, #tpu.memory_space<hbm>> -> memref<128x128xf32, #tpu.memory_space<hbm>>
    %dma_start3A_576 = arith.constant 0 : i32
    %dma_start3A_577 = tpu.memref_slice %arg4[%mul3A_570, %dma_start3A_576] : memref<100000x128xf32, #tpu.memory_space<hbm>> -> memref<128x128xf32, #tpu.memory_space<hbm>>
    %dma_start3A_578 = arith.constant 384 : i32
    %dma_start3A_579 = arith.constant 0 : i32
    %dma_start3A_580 = tpu.memref_slice %arg6[%dma_start3A_578, %dma_start3A_579] : memref<768x128xf32, #tpu.memory_space<vmem>> -> memref<128x128xf32, #tpu.memory_space<vmem>>
    tpu.enqueue_dma source(%dma_start3A_580 : memref<128x128xf32, #tpu.memory_space<vmem>>) target(%dma_start3A_577 : memref<128x128xf32, #tpu.memory_space<hbm>>) target_semaphore(%arg21 : memref<!tpu.dma_semaphore, #tpu.memory_space<semaphore_mem>>)
    %dma_wait3A_581 = arith.constant 256 : i32
    %dma_wait3A_582 = arith.constant 0 : i32
    %dma_wait3A_583 = tpu.memref_slice %arg6[%dma_wait3A_581, %dma_wait3A_582] : memref<768x128xf32, #tpu.memory_space<vmem>> -> memref<128x128xf32, #tpu.memory_space<vmem>>
    %dma_wait3A_584 = arith.constant 0 : i32
    %dma_wait3A_585 = arith.constant 0 : i32
    %dma_wait3A_586 = tpu.memref_slice %arg4[%dma_wait3A_584, %dma_wait3A_585] : memref<100000x128xf32, #tpu.memory_space<hbm>> -> memref<128x128xf32, #tpu.memory_space<hbm>>
    %dma_wait3A_587 = arith.constant 0 : i32
    %dma_wait3A_588 = arith.constant 0 : i32
    %dma_wait3A_589 = tpu.memref_slice %arg4[%dma_wait3A_587, %dma_wait3A_588] : memref<100000x128xf32, #tpu.memory_space<hbm>> -> memref<128x128xf32, #tpu.memory_space<hbm>>
    %dma_wait3A_590 = arith.constant 256 : i32
    %dma_wait3A_591 = arith.constant 0 : i32
    %dma_wait3A_592 = tpu.memref_slice %arg6[%dma_wait3A_590, %dma_wait3A_591] : memref<768x128xf32, #tpu.memory_space<vmem>> -> memref<128x128xf32, #tpu.memory_space<vmem>>
    tpu.wait_dma2 semaphore(%arg20 : memref<!tpu.dma_semaphore, #tpu.memory_space<semaphore_mem>>) src(%dma_wait3A_592 : memref<128x128xf32, #tpu.memory_space<vmem>>) dst(%dma_wait3A_589 : memref<128x128xf32, #tpu.memory_space<hbm>>)
    %dma_start3A_593 = arith.constant 256 : i32
    %dma_start3A_594 = arith.constant 0 : i32
    %dma_start3A_595 = tpu.memref_slice %arg6[%dma_start3A_593, %dma_start3A_594] : memref<768x128xf32, #tpu.memory_space<vmem>> -> memref<128x128xf32, #tpu.memory_space<vmem>>
    %dma_start3A_596 = arith.constant 1024 : i32
    %dma_start3A_597 = tpu.memref_slice %arg5[%dma_start3A_596] : memref<3200xi32, #tpu.memory_space<vmem>> -> memref<128xi32, #tpu.memory_space<vmem>>
    %dma_start3A_598 = arith.constant 0 : i32
    %dma_start3A_599 = arith.constant 0 : i32
    %dma_start3A_600 = tpu.memref_slice %arg9[%dma_start3A_598, %dma_start3A_599] : memref<37x128xf32, #tpu.memory_space<vmem_shared>> -> memref<37x128xf32, #tpu.memory_space<vmem_shared>>
    tpu.enqueue_indirect_dma source(%dma_start3A_600 : memref<37x128xf32, #tpu.memory_space<vmem_shared>>) target(%dma_start3A_595 : memref<128x128xf32, #tpu.memory_space<vmem>>) offsets(%dma_start3A_597 : memref<128xi32, #tpu.memory_space<vmem>>) semaphore(%arg14 : memref<!tpu.dma_semaphore, #tpu.memory_space<semaphore_mem>>)
    %dma_wait3A_601 = arith.constant 512 : i32
    %dma_wait3A_602 = arith.constant 0 : i32
    %dma_wait3A_603 = tpu.memref_slice %arg6[%dma_wait3A_601, %dma_wait3A_602] : memref<768x128xf32, #tpu.memory_space<vmem>> -> memref<128x128xf32, #tpu.memory_space<vmem>>
    %dma_wait3A_604 = arith.constant 0 : i32
    %dma_wait3A_605 = arith.constant 0 : i32
    %dma_wait3A_606 = tpu.memref_slice %arg4[%dma_wait3A_604, %dma_wait3A_605] : memref<100000x128xf32, #tpu.memory_space<hbm>> -> memref<128x128xf32, #tpu.memory_space<hbm>>
    %dma_wait3A_607 = arith.constant 512 : i32
    %dma_wait3A_608 = arith.constant 0 : i32
    %dma_wait3A_609 = tpu.memref_slice %arg6[%dma_wait3A_607, %dma_wait3A_608] : memref<768x128xf32, #tpu.memory_space<vmem>> -> memref<128x128xf32, #tpu.memory_space<vmem>>
    %dma_wait3A_610 = arith.constant 0 : i32
    %dma_wait3A_611 = arith.constant 0 : i32
    %dma_wait3A_612 = tpu.memref_slice %arg4[%dma_wait3A_610, %dma_wait3A_611] : memref<100000x128xf32, #tpu.memory_space<hbm>> -> memref<128x128xf32, #tpu.memory_space<hbm>>
    tpu.wait_dma2 semaphore(%arg16 : memref<!tpu.dma_semaphore, #tpu.memory_space<semaphore_mem>>) src(%dma_wait3A_612 : memref<128x128xf32, #tpu.memory_space<hbm>>) dst(%dma_wait3A_609 : memref<128x128xf32, #tpu.memory_space<vmem>>)
    %add3A_613 = arith.constant 128 : i32
    %add3A_614 = arith.addi %add3A, %add3A_613 : i32
    %mul3A_615 = arith.constant 128 : i32
    %mul3A_616 = arith.muli %add3A_614, %mul3A_615 : i32
    %dma_start3A_617 = arith.constant 512 : i32
    %dma_start3A_618 = arith.constant 0 : i32
    %dma_start3A_619 = tpu.memref_slice %arg6[%dma_start3A_617, %dma_start3A_618] : memref<768x128xf32, #tpu.memory_space<vmem>> -> memref<128x128xf32, #tpu.memory_space<vmem>>
    %dma_start3A_620 = arith.constant 0 : i32
    %dma_start3A_621 = tpu.memref_slice %arg4[%mul3A_616, %dma_start3A_620] : memref<100000x128xf32, #tpu.memory_space<hbm>> -> memref<128x128xf32, #tpu.memory_space<hbm>>
    %dma_start3A_622 = arith.constant 0 : i32
    %dma_start3A_623 = tpu.memref_slice %arg4[%mul3A_616, %dma_start3A_622] : memref<100000x128xf32, #tpu.memory_space<hbm>> -> memref<128x128xf32, #tpu.memory_space<hbm>>
    %dma_start3A_624 = arith.constant 512 : i32
    %dma_start3A_625 = arith.constant 0 : i32
    %dma_start3A_626 = tpu.memref_slice %arg6[%dma_start3A_624, %dma_start3A_625] : memref<768x128xf32, #tpu.memory_space<vmem>> -> memref<128x128xf32, #tpu.memory_space<vmem>>
    tpu.enqueue_dma source(%dma_start3A_626 : memref<128x128xf32, #tpu.memory_space<vmem>>) target(%dma_start3A_623 : memref<128x128xf32, #tpu.memory_space<hbm>>) target_semaphore(%arg22 : memref<!tpu.dma_semaphore, #tpu.memory_space<semaphore_mem>>)
    %dma_wait3A_627 = arith.constant 384 : i32
    %dma_wait3A_628 = arith.constant 0 : i32
    %dma_wait3A_629 = tpu.memref_slice %arg6[%dma_wait3A_627, %dma_wait3A_628] : memref<768x128xf32, #tpu.memory_space<vmem>> -> memref<128x128xf32, #tpu.memory_space<vmem>>
    %dma_wait3A_630 = arith.constant 0 : i32
    %dma_wait3A_631 = arith.constant 0 : i32
    %dma_wait3A_632 = tpu.memref_slice %arg4[%dma_wait3A_630, %dma_wait3A_631] : memref<100000x128xf32, #tpu.memory_space<hbm>> -> memref<128x128xf32, #tpu.memory_space<hbm>>
    %dma_wait3A_633 = arith.constant 0 : i32
    %dma_wait3A_634 = arith.constant 0 : i32
    %dma_wait3A_635 = tpu.memref_slice %arg4[%dma_wait3A_633, %dma_wait3A_634] : memref<100000x128xf32, #tpu.memory_space<hbm>> -> memref<128x128xf32, #tpu.memory_space<hbm>>
    %dma_wait3A_636 = arith.constant 384 : i32
    %dma_wait3A_637 = arith.constant 0 : i32
    %dma_wait3A_638 = tpu.memref_slice %arg6[%dma_wait3A_636, %dma_wait3A_637] : memref<768x128xf32, #tpu.memory_space<vmem>> -> memref<128x128xf32, #tpu.memory_space<vmem>>
    tpu.wait_dma2 semaphore(%arg21 : memref<!tpu.dma_semaphore, #tpu.memory_space<semaphore_mem>>) src(%dma_wait3A_638 : memref<128x128xf32, #tpu.memory_space<vmem>>) dst(%dma_wait3A_635 : memref<128x128xf32, #tpu.memory_space<hbm>>)
    %dma_start3A_639 = arith.constant 384 : i32
    %dma_start3A_640 = arith.constant 0 : i32
    %dma_start3A_641 = tpu.memref_slice %arg6[%dma_start3A_639, %dma_start3A_640] : memref<768x128xf32, #tpu.memory_space<vmem>> -> memref<128x128xf32, #tpu.memory_space<vmem>>
    %dma_start3A_642 = arith.constant 1152 : i32
    %dma_start3A_643 = tpu.memref_slice %arg5[%dma_start3A_642] : memref<3200xi32, #tpu.memory_space<vmem>> -> memref<128xi32, #tpu.memory_space<vmem>>
    %dma_start3A_644 = arith.constant 0 : i32
    %dma_start3A_645 = arith.constant 0 : i32
    %dma_start3A_646 = tpu.memref_slice %arg9[%dma_start3A_644, %dma_start3A_645] : memref<37x128xf32, #tpu.memory_space<vmem_shared>> -> memref<37x128xf32, #tpu.memory_space<vmem_shared>>
    tpu.enqueue_indirect_dma source(%dma_start3A_646 : memref<37x128xf32, #tpu.memory_space<vmem_shared>>) target(%dma_start3A_641 : memref<128x128xf32, #tpu.memory_space<vmem>>) offsets(%dma_start3A_643 : memref<128xi32, #tpu.memory_space<vmem>>) semaphore(%arg15 : memref<!tpu.dma_semaphore, #tpu.memory_space<semaphore_mem>>)
    %scan3A = arith.constant 0 : i32
    %scan3A_647 = arith.constant 0 : i32
    %scan3A_648 = arith.constant 3 : i32
    %scan3A_649 = arith.addi %scan3A_647, %scan3A_648 : i32
    %scan3A_650 = arith.constant 1 : i32
    scf.for %scan3A_760 = %scan3A_647 to %scan3A_649 step %scan3A_650  : i32 {
      %mul3A_761 = arith.constant 6 : i32
      %mul3A_762 = arith.muli %scan3A_760, %mul3A_761 : i32
      %add3A_763 = arith.constant 5 : i32
      %add3A_764 = arith.addi %add3A_763, %mul3A_762 : i32
      %add3A_765 = arith.constant 0 : i32
      %add3A_766 = arith.addi %add3A_764, %add3A_765 : i32
      %dma_wait3A_767 = arith.constant 640 : i32
      %dma_wait3A_768 = arith.constant 0 : i32
      %dma_wait3A_769 = tpu.memref_slice %arg6[%dma_wait3A_767, %dma_wait3A_768] : memref<768x128xf32, #tpu.memory_space<vmem>> -> memref<128x128xf32, #tpu.memory_space<vmem>>
      %dma_wait3A_770 = arith.constant 0 : i32
      %dma_wait3A_771 = arith.constant 0 : i32
      %dma_wait3A_772 = tpu.memref_slice %arg4[%dma_wait3A_770, %dma_wait3A_771] : memref<100000x128xf32, #tpu.memory_space<hbm>> -> memref<128x128xf32, #tpu.memory_space<hbm>>
      %dma_wait3A_773 = arith.constant 640 : i32
      %dma_wait3A_774 = arith.constant 0 : i32
      %dma_wait3A_775 = tpu.memref_slice %arg6[%dma_wait3A_773, %dma_wait3A_774] : memref<768x128xf32, #tpu.memory_space<vmem>> -> memref<128x128xf32, #tpu.memory_space<vmem>>
      %dma_wait3A_776 = arith.constant 0 : i32
      %dma_wait3A_777 = arith.constant 0 : i32
      %dma_wait3A_778 = tpu.memref_slice %arg4[%dma_wait3A_776, %dma_wait3A_777] : memref<100000x128xf32, #tpu.memory_space<hbm>> -> memref<128x128xf32, #tpu.memory_space<hbm>>
      tpu.wait_dma2 semaphore(%arg17 : memref<!tpu.dma_semaphore, #tpu.memory_space<semaphore_mem>>) src(%dma_wait3A_778 : memref<128x128xf32, #tpu.memory_space<hbm>>) dst(%dma_wait3A_775 : memref<128x128xf32, #tpu.memory_space<vmem>>)
      %mul3A_779 = arith.constant 32 : i32
      %mul3A_780 = arith.muli %add3A_766, %mul3A_779 : i32
      %add3A_781 = arith.addi %add3A, %mul3A_780 : i32
      %mul3A_782 = arith.constant 128 : i32
      %mul3A_783 = arith.muli %add3A_781, %mul3A_782 : i32
      %dma_start3A_784 = arith.constant 640 : i32
      %dma_start3A_785 = arith.constant 0 : i32
      %dma_start3A_786 = tpu.memref_slice %arg6[%dma_start3A_784, %dma_start3A_785] : memref<768x128xf32, #tpu.memory_space<vmem>> -> memref<128x128xf32, #tpu.memory_space<vmem>>
      %dma_start3A_787 = arith.constant 0 : i32
      %dma_start3A_788 = tpu.memref_slice %arg4[%mul3A_783, %dma_start3A_787] : memref<100000x128xf32, #tpu.memory_space<hbm>> -> memref<128x128xf32, #tpu.memory_space<hbm>>
      %dma_start3A_789 = arith.constant 0 : i32
      %dma_start3A_790 = tpu.memref_slice %arg4[%mul3A_783, %dma_start3A_789] : memref<100000x128xf32, #tpu.memory_space<hbm>> -> memref<128x128xf32, #tpu.memory_space<hbm>>
      %dma_start3A_791 = arith.constant 640 : i32
      %dma_start3A_792 = arith.constant 0 : i32
      %dma_start3A_793 = tpu.memref_slice %arg6[%dma_start3A_791, %dma_start3A_792] : memref<768x128xf32, #tpu.memory_space<vmem>> -> memref<128x128xf32, #tpu.memory_space<vmem>>
      tpu.enqueue_dma source(%dma_start3A_793 : memref<128x128xf32, #tpu.memory_space<vmem>>) target(%dma_start3A_790 : memref<128x128xf32, #tpu.memory_space<hbm>>) target_semaphore(%arg23 : memref<!tpu.dma_semaphore, #tpu.memory_space<semaphore_mem>>)
      %add3A_794 = arith.constant 6 : i32
      %add3A_795 = arith.addi %add3A_766, %add3A_794 : i32
      %sub3A = arith.constant 1 : i32
      %sub3A_796 = arith.subi %add3A_795, %sub3A : i32
      %mul3A_797 = arith.constant 32 : i32
      %mul3A_798 = arith.muli %sub3A_796, %mul3A_797 : i32
      %add3A_799 = arith.addi %add3A, %mul3A_798 : i32
      %lt3A_800 = arith.constant 781 : i32
      %lt3A_801 = arith.cmpi slt, %add3A_799, %lt3A_800 : i32
      %convert_element_type3A_802 = arith.extui %lt3A_801 : i1 to i32
      %cond3A_803 = arith.constant 0 : i32
      %cond3A_804 = arith.cmpi ne, %convert_element_type3A_802, %cond3A_803 : i32
      scf.if %cond3A_804 {
        %dma_wait3A_1030 = arith.constant 512 : i32
        %dma_wait3A_1031 = arith.constant 0 : i32
        %dma_wait3A_1032 = tpu.memref_slice %arg6[%dma_wait3A_1030, %dma_wait3A_1031] : memref<768x128xf32, #tpu.memory_space<vmem>> -> memref<128x128xf32, #tpu.memory_space<vmem>>
        %dma_wait3A_1033 = arith.constant 0 : i32
        %dma_wait3A_1034 = arith.constant 0 : i32
        %dma_wait3A_1035 = tpu.memref_slice %arg4[%dma_wait3A_1033, %dma_wait3A_1034] : memref<100000x128xf32, #tpu.memory_space<hbm>> -> memref<128x128xf32, #tpu.memory_space<hbm>>
        %dma_wait3A_1036 = arith.constant 0 : i32
        %dma_wait3A_1037 = arith.constant 0 : i32
        %dma_wait3A_1038 = tpu.memref_slice %arg4[%dma_wait3A_1036, %dma_wait3A_1037] : memref<100000x128xf32, #tpu.memory_space<hbm>> -> memref<128x128xf32, #tpu.memory_space<hbm>>
        %dma_wait3A_1039 = arith.constant 512 : i32
        %dma_wait3A_1040 = arith.constant 0 : i32
        %dma_wait3A_1041 = tpu.memref_slice %arg6[%dma_wait3A_1039, %dma_wait3A_1040] : memref<768x128xf32, #tpu.memory_space<vmem>> -> memref<128x128xf32, #tpu.memory_space<vmem>>
        tpu.wait_dma2 semaphore(%arg22 : memref<!tpu.dma_semaphore, #tpu.memory_space<semaphore_mem>>) src(%dma_wait3A_1041 : memref<128x128xf32, #tpu.memory_space<vmem>>) dst(%dma_wait3A_1038 : memref<128x128xf32, #tpu.memory_space<hbm>>)
        %add3A_1042 = arith.constant 6 : i32
        %add3A_1043 = arith.addi %add3A_766, %add3A_1042 : i32
        %sub3A_1044 = arith.constant 1 : i32
        %sub3A_1045 = arith.subi %add3A_1043, %sub3A_1044 : i32
        %mul3A_1046 = arith.constant 128 : i32
        %mul3A_1047 = arith.muli %sub3A_1045, %mul3A_1046 : i32
        %dma_start3A_1048 = arith.constant 512 : i32
        %dma_start3A_1049 = arith.constant 0 : i32
        %dma_start3A_1050 = tpu.memref_slice %arg6[%dma_start3A_1048, %dma_start3A_1049] : memref<768x128xf32, #tpu.memory_space<vmem>> -> memref<128x128xf32, #tpu.memory_space<vmem>>
        %dma_start3A_1051 = tpu.memref_slice %arg5[%mul3A_1047] : memref<3200xi32, #tpu.memory_space<vmem>> -> memref<128xi32, #tpu.memory_space<vmem>>
        %dma_start3A_1052 = arith.constant 0 : i32
        %dma_start3A_1053 = arith.constant 0 : i32
        %dma_start3A_1054 = tpu.memref_slice %arg9[%dma_start3A_1052, %dma_start3A_1053] : memref<37x128xf32, #tpu.memory_space<vmem_shared>> -> memref<37x128xf32, #tpu.memory_space<vmem_shared>>
        tpu.enqueue_indirect_dma source(%dma_start3A_1054 : memref<37x128xf32, #tpu.memory_space<vmem_shared>>) target(%dma_start3A_1050 : memref<128x128xf32, #tpu.memory_space<vmem>>) offsets(%dma_start3A_1051 : memref<128xi32, #tpu.memory_space<vmem>>) semaphore(%arg16 : memref<!tpu.dma_semaphore, #tpu.memory_space<semaphore_mem>>)
      } else {
      }
      %mul3A_805 = arith.constant 6 : i32
      %mul3A_806 = arith.muli %scan3A_760, %mul3A_805 : i32
      %add3A_807 = arith.constant 5 : i32
      %add3A_808 = arith.addi %add3A_807, %mul3A_806 : i32
      %add3A_809 = arith.constant 1 : i32
      %add3A_810 = arith.addi %add3A_808, %add3A_809 : i32
      %dma_wait3A_811 = arith.constant 0 : i32
      %dma_wait3A_812 = arith.constant 0 : i32
      %dma_wait3A_813 = tpu.memref_slice %arg6[%dma_wait3A_811, %dma_wait3A_812] : memref<768x128xf32, #tpu.memory_space<vmem>> -> memref<128x128xf32, #tpu.memory_space<vmem>>
      %dma_wait3A_814 = arith.constant 0 : i32
      %dma_wait3A_815 = arith.constant 0 : i32
      %dma_wait3A_816 = tpu.memref_slice %arg4[%dma_wait3A_814, %dma_wait3A_815] : memref<100000x128xf32, #tpu.memory_space<hbm>> -> memref<128x128xf32, #tpu.memory_space<hbm>>
      %dma_wait3A_817 = arith.constant 0 : i32
      %dma_wait3A_818 = arith.constant 0 : i32
      %dma_wait3A_819 = tpu.memref_slice %arg6[%dma_wait3A_817, %dma_wait3A_818] : memref<768x128xf32, #tpu.memory_space<vmem>> -> memref<128x128xf32, #tpu.memory_space<vmem>>
      %dma_wait3A_820 = arith.constant 0 : i32
      %dma_wait3A_821 = arith.constant 0 : i32
      %dma_wait3A_822 = tpu.memref_slice %arg4[%dma_wait3A_820, %dma_wait3A_821] : memref<100000x128xf32, #tpu.memory_space<hbm>> -> memref<128x128xf32, #tpu.memory_space<hbm>>
      tpu.wait_dma2 semaphore(%arg12 : memref<!tpu.dma_semaphore, #tpu.memory_space<semaphore_mem>>) src(%dma_wait3A_822 : memref<128x128xf32, #tpu.memory_space<hbm>>) dst(%dma_wait3A_819 : memref<128x128xf32, #tpu.memory_space<vmem>>)
      %mul3A_823 = arith.constant 32 : i32
      %mul3A_824 = arith.muli %add3A_810, %mul3A_823 : i32
      %add3A_825 = arith.addi %add3A, %mul3A_824 : i32
      %mul3A_826 = arith.constant 128 : i32
      %mul3A_827 = arith.muli %add3A_825, %mul3A_826 : i32
      %dma_start3A_828 = arith.constant 0 : i32
      %dma_start3A_829 = arith.constant 0 : i32
      %dma_start3A_830 = tpu.memref_slice %arg6[%dma_start3A_828, %dma_start3A_829] : memref<768x128xf32, #tpu.memory_space<vmem>> -> memref<128x128xf32, #tpu.memory_space<vmem>>
      %dma_start3A_831 = arith.constant 0 : i32
      %dma_start3A_832 = tpu.memref_slice %arg4[%mul3A_827, %dma_start3A_831] : memref<100000x128xf32, #tpu.memory_space<hbm>> -> memref<128x128xf32, #tpu.memory_space<hbm>>
      %dma_start3A_833 = arith.constant 0 : i32
      %dma_start3A_834 = tpu.memref_slice %arg4[%mul3A_827, %dma_start3A_833] : memref<100000x128xf32, #tpu.memory_space<hbm>> -> memref<128x128xf32, #tpu.memory_space<hbm>>
      %dma_start3A_835 = arith.constant 0 : i32
      %dma_start3A_836 = arith.constant 0 : i32
      %dma_start3A_837 = tpu.memref_slice %arg6[%dma_start3A_835, %dma_start3A_836] : memref<768x128xf32, #tpu.memory_space<vmem>> -> memref<128x128xf32, #tpu.memory_space<vmem>>
      tpu.enqueue_dma source(%dma_start3A_837 : memref<128x128xf32, #tpu.memory_space<vmem>>) target(%dma_start3A_834 : memref<128x128xf32, #tpu.memory_space<hbm>>) target_semaphore(%arg18 : memref<!tpu.dma_semaphore, #tpu.memory_space<semaphore_mem>>)
      %add3A_838 = arith.constant 6 : i32
      %add3A_839 = arith.addi %add3A_810, %add3A_838 : i32
      %sub3A_840 = arith.constant 1 : i32
      %sub3A_841 = arith.subi %add3A_839, %sub3A_840 : i32
      %mul3A_842 = arith.constant 32 : i32
      %mul3A_843 = arith.muli %sub3A_841, %mul3A_842 : i32
      %add3A_844 = arith.addi %add3A, %mul3A_843 : i32
      %lt3A_845 = arith.constant 781 : i32
      %lt3A_846 = arith.cmpi slt, %add3A_844, %lt3A_845 : i32
      %convert_element_type3A_847 = arith.extui %lt3A_846 : i1 to i32
      %cond3A_848 = arith.constant 0 : i32
      %cond3A_849 = arith.cmpi ne, %convert_element_type3A_847, %cond3A_848 : i32
      scf.if %cond3A_849 {
        %dma_wait3A_1030 = arith.constant 640 : i32
        %dma_wait3A_1031 = arith.constant 0 : i32
        %dma_wait3A_1032 = tpu.memref_slice %arg6[%dma_wait3A_1030, %dma_wait3A_1031] : memref<768x128xf32, #tpu.memory_space<vmem>> -> memref<128x128xf32, #tpu.memory_space<vmem>>
        %dma_wait3A_1033 = arith.constant 0 : i32
        %dma_wait3A_1034 = arith.constant 0 : i32
        %dma_wait3A_1035 = tpu.memref_slice %arg4[%dma_wait3A_1033, %dma_wait3A_1034] : memref<100000x128xf32, #tpu.memory_space<hbm>> -> memref<128x128xf32, #tpu.memory_space<hbm>>
        %dma_wait3A_1036 = arith.constant 0 : i32
        %dma_wait3A_1037 = arith.constant 0 : i32
        %dma_wait3A_1038 = tpu.memref_slice %arg4[%dma_wait3A_1036, %dma_wait3A_1037] : memref<100000x128xf32, #tpu.memory_space<hbm>> -> memref<128x128xf32, #tpu.memory_space<hbm>>
        %dma_wait3A_1039 = arith.constant 640 : i32
        %dma_wait3A_1040 = arith.constant 0 : i32
        %dma_wait3A_1041 = tpu.memref_slice %arg6[%dma_wait3A_1039, %dma_wait3A_1040] : memref<768x128xf32, #tpu.memory_space<vmem>> -> memref<128x128xf32, #tpu.memory_space<vmem>>
        tpu.wait_dma2 semaphore(%arg23 : memref<!tpu.dma_semaphore, #tpu.memory_space<semaphore_mem>>) src(%dma_wait3A_1041 : memref<128x128xf32, #tpu.memory_space<vmem>>) dst(%dma_wait3A_1038 : memref<128x128xf32, #tpu.memory_space<hbm>>)
        %add3A_1042 = arith.constant 6 : i32
        %add3A_1043 = arith.addi %add3A_810, %add3A_1042 : i32
        %sub3A_1044 = arith.constant 1 : i32
        %sub3A_1045 = arith.subi %add3A_1043, %sub3A_1044 : i32
        %mul3A_1046 = arith.constant 128 : i32
        %mul3A_1047 = arith.muli %sub3A_1045, %mul3A_1046 : i32
        %dma_start3A_1048 = arith.constant 640 : i32
        %dma_start3A_1049 = arith.constant 0 : i32
        %dma_start3A_1050 = tpu.memref_slice %arg6[%dma_start3A_1048, %dma_start3A_1049] : memref<768x128xf32, #tpu.memory_space<vmem>> -> memref<128x128xf32, #tpu.memory_space<vmem>>
        %dma_start3A_1051 = tpu.memref_slice %arg5[%mul3A_1047] : memref<3200xi32, #tpu.memory_space<vmem>> -> memref<128xi32, #tpu.memory_space<vmem>>
        %dma_start3A_1052 = arith.constant 0 : i32
        %dma_start3A_1053 = arith.constant 0 : i32
        %dma_start3A_1054 = tpu.memref_slice %arg9[%dma_start3A_1052, %dma_start3A_1053] : memref<37x128xf32, #tpu.memory_space<vmem_shared>> -> memref<37x128xf32, #tpu.memory_space<vmem_shared>>
        tpu.enqueue_indirect_dma source(%dma_start3A_1054 : memref<37x128xf32, #tpu.memory_space<vmem_shared>>) target(%dma_start3A_1050 : memref<128x128xf32, #tpu.memory_space<vmem>>) offsets(%dma_start3A_1051 : memref<128xi32, #tpu.memory_space<vmem>>) semaphore(%arg17 : memref<!tpu.dma_semaphore, #tpu.memory_space<semaphore_mem>>)
      } else {
      }
      %mul3A_850 = arith.constant 6 : i32
      %mul3A_851 = arith.muli %scan3A_760, %mul3A_850 : i32
      %add3A_852 = arith.constant 5 : i32
      %add3A_853 = arith.addi %add3A_852, %mul3A_851 : i32
      %add3A_854 = arith.constant 2 : i32
      %add3A_855 = arith.addi %add3A_853, %add3A_854 : i32
      %dma_wait3A_856 = arith.constant 128 : i32
      %dma_wait3A_857 = arith.constant 0 : i32
      %dma_wait3A_858 = tpu.memref_slice %arg6[%dma_wait3A_856, %dma_wait3A_857] : memref<768x128xf32, #tpu.memory_space<vmem>> -> memref<128x128xf32, #tpu.memory_space<vmem>>
      %dma_wait3A_859 = arith.constant 0 : i32
      %dma_wait3A_860 = arith.constant 0 : i32
      %dma_wait3A_861 = tpu.memref_slice %arg4[%dma_wait3A_859, %dma_wait3A_860] : memref<100000x128xf32, #tpu.memory_space<hbm>> -> memref<128x128xf32, #tpu.memory_space<hbm>>
      %dma_wait3A_862 = arith.constant 128 : i32
      %dma_wait3A_863 = arith.constant 0 : i32
      %dma_wait3A_864 = tpu.memref_slice %arg6[%dma_wait3A_862, %dma_wait3A_863] : memref<768x128xf32, #tpu.memory_space<vmem>> -> memref<128x128xf32, #tpu.memory_space<vmem>>
      %dma_wait3A_865 = arith.constant 0 : i32
      %dma_wait3A_866 = arith.constant 0 : i32
      %dma_wait3A_867 = tpu.memref_slice %arg4[%dma_wait3A_865, %dma_wait3A_866] : memref<100000x128xf32, #tpu.memory_space<hbm>> -> memref<128x128xf32, #tpu.memory_space<hbm>>
      tpu.wait_dma2 semaphore(%arg13 : memref<!tpu.dma_semaphore, #tpu.memory_space<semaphore_mem>>) src(%dma_wait3A_867 : memref<128x128xf32, #tpu.memory_space<hbm>>) dst(%dma_wait3A_864 : memref<128x128xf32, #tpu.memory_space<vmem>>)
      %mul3A_868 = arith.constant 32 : i32
      %mul3A_869 = arith.muli %add3A_855, %mul3A_868 : i32
      %add3A_870 = arith.addi %add3A, %mul3A_869 : i32
      %mul3A_871 = arith.constant 128 : i32
      %mul3A_872 = arith.muli %add3A_870, %mul3A_871 : i32
      %dma_start3A_873 = arith.constant 128 : i32
      %dma_start3A_874 = arith.constant 0 : i32
      %dma_start3A_875 = tpu.memref_slice %arg6[%dma_start3A_873, %dma_start3A_874] : memref<768x128xf32, #tpu.memory_space<vmem>> -> memref<128x128xf32, #tpu.memory_space<vmem>>
      %dma_start3A_876 = arith.constant 0 : i32
      %dma_start3A_877 = tpu.memref_slice %arg4[%mul3A_872, %dma_start3A_876] : memref<100000x128xf32, #tpu.memory_space<hbm>> -> memref<128x128xf32, #tpu.memory_space<hbm>>
      %dma_start3A_878 = arith.constant 0 : i32
      %dma_start3A_879 = tpu.memref_slice %arg4[%mul3A_872, %dma_start3A_878] : memref<100000x128xf32, #tpu.memory_space<hbm>> -> memref<128x128xf32, #tpu.memory_space<hbm>>
      %dma_start3A_880 = arith.constant 128 : i32
      %dma_start3A_881 = arith.constant 0 : i32
      %dma_start3A_882 = tpu.memref_slice %arg6[%dma_start3A_880, %dma_start3A_881] : memref<768x128xf32, #tpu.memory_space<vmem>> -> memref<128x128xf32, #tpu.memory_space<vmem>>
      tpu.enqueue_dma source(%dma_start3A_882 : memref<128x128xf32, #tpu.memory_space<vmem>>) target(%dma_start3A_879 : memref<128x128xf32, #tpu.memory_space<hbm>>) target_semaphore(%arg19 : memref<!tpu.dma_semaphore, #tpu.memory_space<semaphore_mem>>)
      %add3A_883 = arith.constant 6 : i32
      %add3A_884 = arith.addi %add3A_855, %add3A_883 : i32
      %sub3A_885 = arith.constant 1 : i32
      %sub3A_886 = arith.subi %add3A_884, %sub3A_885 : i32
      %mul3A_887 = arith.constant 32 : i32
      %mul3A_888 = arith.muli %sub3A_886, %mul3A_887 : i32
      %add3A_889 = arith.addi %add3A, %mul3A_888 : i32
      %lt3A_890 = arith.constant 781 : i32
      %lt3A_891 = arith.cmpi slt, %add3A_889, %lt3A_890 : i32
      %convert_element_type3A_892 = arith.extui %lt3A_891 : i1 to i32
      %cond3A_893 = arith.constant 0 : i32
      %cond3A_894 = arith.cmpi ne, %convert_element_type3A_892, %cond3A_893 : i32
      scf.if %cond3A_894 {
        %dma_wait3A_1030 = arith.constant 0 : i32
        %dma_wait3A_1031 = arith.constant 0 : i32
        %dma_wait3A_1032 = tpu.memref_slice %arg6[%dma_wait3A_1030, %dma_wait3A_1031] : memref<768x128xf32, #tpu.memory_space<vmem>> -> memref<128x128xf32, #tpu.memory_space<vmem>>
        %dma_wait3A_1033 = arith.constant 0 : i32
        %dma_wait3A_1034 = arith.constant 0 : i32
        %dma_wait3A_1035 = tpu.memref_slice %arg4[%dma_wait3A_1033, %dma_wait3A_1034] : memref<100000x128xf32, #tpu.memory_space<hbm>> -> memref<128x128xf32, #tpu.memory_space<hbm>>
        %dma_wait3A_1036 = arith.constant 0 : i32
        %dma_wait3A_1037 = arith.constant 0 : i32
        %dma_wait3A_1038 = tpu.memref_slice %arg4[%dma_wait3A_1036, %dma_wait3A_1037] : memref<100000x128xf32, #tpu.memory_space<hbm>> -> memref<128x128xf32, #tpu.memory_space<hbm>>
        %dma_wait3A_1039 = arith.constant 0 : i32
        %dma_wait3A_1040 = arith.constant 0 : i32
        %dma_wait3A_1041 = tpu.memref_slice %arg6[%dma_wait3A_1039, %dma_wait3A_1040] : memref<768x128xf32, #tpu.memory_space<vmem>> -> memref<128x128xf32, #tpu.memory_space<vmem>>
        tpu.wait_dma2 semaphore(%arg18 : memref<!tpu.dma_semaphore, #tpu.memory_space<semaphore_mem>>) src(%dma_wait3A_1041 : memref<128x128xf32, #tpu.memory_space<vmem>>) dst(%dma_wait3A_1038 : memref<128x128xf32, #tpu.memory_space<hbm>>)
        %add3A_1042 = arith.constant 6 : i32
        %add3A_1043 = arith.addi %add3A_855, %add3A_1042 : i32
        %sub3A_1044 = arith.constant 1 : i32
        %sub3A_1045 = arith.subi %add3A_1043, %sub3A_1044 : i32
        %mul3A_1046 = arith.constant 128 : i32
        %mul3A_1047 = arith.muli %sub3A_1045, %mul3A_1046 : i32
        %dma_start3A_1048 = arith.constant 0 : i32
        %dma_start3A_1049 = arith.constant 0 : i32
        %dma_start3A_1050 = tpu.memref_slice %arg6[%dma_start3A_1048, %dma_start3A_1049] : memref<768x128xf32, #tpu.memory_space<vmem>> -> memref<128x128xf32, #tpu.memory_space<vmem>>
        %dma_start3A_1051 = tpu.memref_slice %arg5[%mul3A_1047] : memref<3200xi32, #tpu.memory_space<vmem>> -> memref<128xi32, #tpu.memory_space<vmem>>
        %dma_start3A_1052 = arith.constant 0 : i32
        %dma_start3A_1053 = arith.constant 0 : i32
        %dma_start3A_1054 = tpu.memref_slice %arg9[%dma_start3A_1052, %dma_start3A_1053] : memref<37x128xf32, #tpu.memory_space<vmem_shared>> -> memref<37x128xf32, #tpu.memory_space<vmem_shared>>
        tpu.enqueue_indirect_dma source(%dma_start3A_1054 : memref<37x128xf32, #tpu.memory_space<vmem_shared>>) target(%dma_start3A_1050 : memref<128x128xf32, #tpu.memory_space<vmem>>) offsets(%dma_start3A_1051 : memref<128xi32, #tpu.memory_space<vmem>>) semaphore(%arg12 : memref<!tpu.dma_semaphore, #tpu.memory_space<semaphore_mem>>)
      } else {
      }
      %mul3A_895 = arith.constant 6 : i32
      %mul3A_896 = arith.muli %scan3A_760, %mul3A_895 : i32
      %add3A_897 = arith.constant 5 : i32
      %add3A_898 = arith.addi %add3A_897, %mul3A_896 : i32
      %add3A_899 = arith.constant 3 : i32
      %add3A_900 = arith.addi %add3A_898, %add3A_899 : i32
      %dma_wait3A_901 = arith.constant 256 : i32
      %dma_wait3A_902 = arith.constant 0 : i32
      %dma_wait3A_903 = tpu.memref_slice %arg6[%dma_wait3A_901, %dma_wait3A_902] : memref<768x128xf32, #tpu.memory_space<vmem>> -> memref<128x128xf32, #tpu.memory_space<vmem>>
      %dma_wait3A_904 = arith.constant 0 : i32
      %dma_wait3A_905 = arith.constant 0 : i32
      %dma_wait3A_906 = tpu.memref_slice %arg4[%dma_wait3A_904, %dma_wait3A_905] : memref<100000x128xf32, #tpu.memory_space<hbm>> -> memref<128x128xf32, #tpu.memory_space<hbm>>
      %dma_wait3A_907 = arith.constant 256 : i32
      %dma_wait3A_908 = arith.constant 0 : i32
      %dma_wait3A_909 = tpu.memref_slice %arg6[%dma_wait3A_907, %dma_wait3A_908] : memref<768x128xf32, #tpu.memory_space<vmem>> -> memref<128x128xf32, #tpu.memory_space<vmem>>
      %dma_wait3A_910 = arith.constant 0 : i32
      %dma_wait3A_911 = arith.constant 0 : i32
      %dma_wait3A_912 = tpu.memref_slice %arg4[%dma_wait3A_910, %dma_wait3A_911] : memref<100000x128xf32, #tpu.memory_space<hbm>> -> memref<128x128xf32, #tpu.memory_space<hbm>>
      tpu.wait_dma2 semaphore(%arg14 : memref<!tpu.dma_semaphore, #tpu.memory_space<semaphore_mem>>) src(%dma_wait3A_912 : memref<128x128xf32, #tpu.memory_space<hbm>>) dst(%dma_wait3A_909 : memref<128x128xf32, #tpu.memory_space<vmem>>)
      %mul3A_913 = arith.constant 32 : i32
      %mul3A_914 = arith.muli %add3A_900, %mul3A_913 : i32
      %add3A_915 = arith.addi %add3A, %mul3A_914 : i32
      %mul3A_916 = arith.constant 128 : i32
      %mul3A_917 = arith.muli %add3A_915, %mul3A_916 : i32
      %dma_start3A_918 = arith.constant 256 : i32
      %dma_start3A_919 = arith.constant 0 : i32
      %dma_start3A_920 = tpu.memref_slice %arg6[%dma_start3A_918, %dma_start3A_919] : memref<768x128xf32, #tpu.memory_space<vmem>> -> memref<128x128xf32, #tpu.memory_space<vmem>>
      %dma_start3A_921 = arith.constant 0 : i32
      %dma_start3A_922 = tpu.memref_slice %arg4[%mul3A_917, %dma_start3A_921] : memref<100000x128xf32, #tpu.memory_space<hbm>> -> memref<128x128xf32, #tpu.memory_space<hbm>>
      %dma_start3A_923 = arith.constant 0 : i32
      %dma_start3A_924 = tpu.memref_slice %arg4[%mul3A_917, %dma_start3A_923] : memref<100000x128xf32, #tpu.memory_space<hbm>> -> memref<128x128xf32, #tpu.memory_space<hbm>>
      %dma_start3A_925 = arith.constant 256 : i32
      %dma_start3A_926 = arith.constant 0 : i32
      %dma_start3A_927 = tpu.memref_slice %arg6[%dma_start3A_925, %dma_start3A_926] : memref<768x128xf32, #tpu.memory_space<vmem>> -> memref<128x128xf32, #tpu.memory_space<vmem>>
      tpu.enqueue_dma source(%dma_start3A_927 : memref<128x128xf32, #tpu.memory_space<vmem>>) target(%dma_start3A_924 : memref<128x128xf32, #tpu.memory_space<hbm>>) target_semaphore(%arg20 : memref<!tpu.dma_semaphore, #tpu.memory_space<semaphore_mem>>)
      %add3A_928 = arith.constant 6 : i32
      %add3A_929 = arith.addi %add3A_900, %add3A_928 : i32
      %sub3A_930 = arith.constant 1 : i32
      %sub3A_931 = arith.subi %add3A_929, %sub3A_930 : i32
      %mul3A_932 = arith.constant 32 : i32
      %mul3A_933 = arith.muli %sub3A_931, %mul3A_932 : i32
      %add3A_934 = arith.addi %add3A, %mul3A_933 : i32
      %lt3A_935 = arith.constant 781 : i32
      %lt3A_936 = arith.cmpi slt, %add3A_934, %lt3A_935 : i32
      %convert_element_type3A_937 = arith.extui %lt3A_936 : i1 to i32
      %cond3A_938 = arith.constant 0 : i32
      %cond3A_939 = arith.cmpi ne, %convert_element_type3A_937, %cond3A_938 : i32
      scf.if %cond3A_939 {
        %dma_wait3A_1030 = arith.constant 128 : i32
        %dma_wait3A_1031 = arith.constant 0 : i32
        %dma_wait3A_1032 = tpu.memref_slice %arg6[%dma_wait3A_1030, %dma_wait3A_1031] : memref<768x128xf32, #tpu.memory_space<vmem>> -> memref<128x128xf32, #tpu.memory_space<vmem>>
        %dma_wait3A_1033 = arith.constant 0 : i32
        %dma_wait3A_1034 = arith.constant 0 : i32
        %dma_wait3A_1035 = tpu.memref_slice %arg4[%dma_wait3A_1033, %dma_wait3A_1034] : memref<100000x128xf32, #tpu.memory_space<hbm>> -> memref<128x128xf32, #tpu.memory_space<hbm>>
        %dma_wait3A_1036 = arith.constant 0 : i32
        %dma_wait3A_1037 = arith.constant 0 : i32
        %dma_wait3A_1038 = tpu.memref_slice %arg4[%dma_wait3A_1036, %dma_wait3A_1037] : memref<100000x128xf32, #tpu.memory_space<hbm>> -> memref<128x128xf32, #tpu.memory_space<hbm>>
        %dma_wait3A_1039 = arith.constant 128 : i32
        %dma_wait3A_1040 = arith.constant 0 : i32
        %dma_wait3A_1041 = tpu.memref_slice %arg6[%dma_wait3A_1039, %dma_wait3A_1040] : memref<768x128xf32, #tpu.memory_space<vmem>> -> memref<128x128xf32, #tpu.memory_space<vmem>>
        tpu.wait_dma2 semaphore(%arg19 : memref<!tpu.dma_semaphore, #tpu.memory_space<semaphore_mem>>) src(%dma_wait3A_1041 : memref<128x128xf32, #tpu.memory_space<vmem>>) dst(%dma_wait3A_1038 : memref<128x128xf32, #tpu.memory_space<hbm>>)
        %add3A_1042 = arith.constant 6 : i32
        %add3A_1043 = arith.addi %add3A_900, %add3A_1042 : i32
        %sub3A_1044 = arith.constant 1 : i32
        %sub3A_1045 = arith.subi %add3A_1043, %sub3A_1044 : i32
        %mul3A_1046 = arith.constant 128 : i32
        %mul3A_1047 = arith.muli %sub3A_1045, %mul3A_1046 : i32
        %dma_start3A_1048 = arith.constant 128 : i32
        %dma_start3A_1049 = arith.constant 0 : i32
        %dma_start3A_1050 = tpu.memref_slice %arg6[%dma_start3A_1048, %dma_start3A_1049] : memref<768x128xf32, #tpu.memory_space<vmem>> -> memref<128x128xf32, #tpu.memory_space<vmem>>
        %dma_start3A_1051 = tpu.memref_slice %arg5[%mul3A_1047] : memref<3200xi32, #tpu.memory_space<vmem>> -> memref<128xi32, #tpu.memory_space<vmem>>
        %dma_start3A_1052 = arith.constant 0 : i32
        %dma_start3A_1053 = arith.constant 0 : i32
        %dma_start3A_1054 = tpu.memref_slice %arg9[%dma_start3A_1052, %dma_start3A_1053] : memref<37x128xf32, #tpu.memory_space<vmem_shared>> -> memref<37x128xf32, #tpu.memory_space<vmem_shared>>
        tpu.enqueue_indirect_dma source(%dma_start3A_1054 : memref<37x128xf32, #tpu.memory_space<vmem_shared>>) target(%dma_start3A_1050 : memref<128x128xf32, #tpu.memory_space<vmem>>) offsets(%dma_start3A_1051 : memref<128xi32, #tpu.memory_space<vmem>>) semaphore(%arg13 : memref<!tpu.dma_semaphore, #tpu.memory_space<semaphore_mem>>)
      } else {
      }
      %mul3A_940 = arith.constant 6 : i32
      %mul3A_941 = arith.muli %scan3A_760, %mul3A_940 : i32
      %add3A_942 = arith.constant 5 : i32
      %add3A_943 = arith.addi %add3A_942, %mul3A_941 : i32
      %add3A_944 = arith.constant 4 : i32
      %add3A_945 = arith.addi %add3A_943, %add3A_944 : i32
      %dma_wait3A_946 = arith.constant 384 : i32
      %dma_wait3A_947 = arith.constant 0 : i32
      %dma_wait3A_948 = tpu.memref_slice %arg6[%dma_wait3A_946, %dma_wait3A_947] : memref<768x128xf32, #tpu.memory_space<vmem>> -> memref<128x128xf32, #tpu.memory_space<vmem>>
      %dma_wait3A_949 = arith.constant 0 : i32
      %dma_wait3A_950 = arith.constant 0 : i32
      %dma_wait3A_951 = tpu.memref_slice %arg4[%dma_wait3A_949, %dma_wait3A_950] : memref<100000x128xf32, #tpu.memory_space<hbm>> -> memref<128x128xf32, #tpu.memory_space<hbm>>
      %dma_wait3A_952 = arith.constant 384 : i32
      %dma_wait3A_953 = arith.constant 0 : i32
      %dma_wait3A_954 = tpu.memref_slice %arg6[%dma_wait3A_952, %dma_wait3A_953] : memref<768x128xf32, #tpu.memory_space<vmem>> -> memref<128x128xf32, #tpu.memory_space<vmem>>
      %dma_wait3A_955 = arith.constant 0 : i32
      %dma_wait3A_956 = arith.constant 0 : i32
      %dma_wait3A_957 = tpu.memref_slice %arg4[%dma_wait3A_955, %dma_wait3A_956] : memref<100000x128xf32, #tpu.memory_space<hbm>> -> memref<128x128xf32, #tpu.memory_space<hbm>>
      tpu.wait_dma2 semaphore(%arg15 : memref<!tpu.dma_semaphore, #tpu.memory_space<semaphore_mem>>) src(%dma_wait3A_957 : memref<128x128xf32, #tpu.memory_space<hbm>>) dst(%dma_wait3A_954 : memref<128x128xf32, #tpu.memory_space<vmem>>)
      %mul3A_958 = arith.constant 32 : i32
      %mul3A_959 = arith.muli %add3A_945, %mul3A_958 : i32
      %add3A_960 = arith.addi %add3A, %mul3A_959 : i32
      %mul3A_961 = arith.constant 128 : i32
      %mul3A_962 = arith.muli %add3A_960, %mul3A_961 : i32
      %dma_start3A_963 = arith.constant 384 : i32
      %dma_start3A_964 = arith.constant 0 : i32
      %dma_start3A_965 = tpu.memref_slice %arg6[%dma_start3A_963, %dma_start3A_964] : memref<768x128xf32, #tpu.memory_space<vmem>> -> memref<128x128xf32, #tpu.memory_space<vmem>>
      %dma_start3A_966 = arith.constant 0 : i32
      %dma_start3A_967 = tpu.memref_slice %arg4[%mul3A_962, %dma_start3A_966] : memref<100000x128xf32, #tpu.memory_space<hbm>> -> memref<128x128xf32, #tpu.memory_space<hbm>>
      %dma_start3A_968 = arith.constant 0 : i32
      %dma_start3A_969 = tpu.memref_slice %arg4[%mul3A_962, %dma_start3A_968] : memref<100000x128xf32, #tpu.memory_space<hbm>> -> memref<128x128xf32, #tpu.memory_space<hbm>>
      %dma_start3A_970 = arith.constant 384 : i32
      %dma_start3A_971 = arith.constant 0 : i32
      %dma_start3A_972 = tpu.memref_slice %arg6[%dma_start3A_970, %dma_start3A_971] : memref<768x128xf32, #tpu.memory_space<vmem>> -> memref<128x128xf32, #tpu.memory_space<vmem>>
      tpu.enqueue_dma source(%dma_start3A_972 : memref<128x128xf32, #tpu.memory_space<vmem>>) target(%dma_start3A_969 : memref<128x128xf32, #tpu.memory_space<hbm>>) target_semaphore(%arg21 : memref<!tpu.dma_semaphore, #tpu.memory_space<semaphore_mem>>)
      %add3A_973 = arith.constant 6 : i32
      %add3A_974 = arith.addi %add3A_945, %add3A_973 : i32
      %sub3A_975 = arith.constant 1 : i32
      %sub3A_976 = arith.subi %add3A_974, %sub3A_975 : i32
      %mul3A_977 = arith.constant 32 : i32
      %mul3A_978 = arith.muli %sub3A_976, %mul3A_977 : i32
      %add3A_979 = arith.addi %add3A, %mul3A_978 : i32
      %lt3A_980 = arith.constant 781 : i32
      %lt3A_981 = arith.cmpi slt, %add3A_979, %lt3A_980 : i32
      %convert_element_type3A_982 = arith.extui %lt3A_981 : i1 to i32
      %cond3A_983 = arith.constant 0 : i32
      %cond3A_984 = arith.cmpi ne, %convert_element_type3A_982, %cond3A_983 : i32
      scf.if %cond3A_984 {
        %dma_wait3A_1030 = arith.constant 256 : i32
        %dma_wait3A_1031 = arith.constant 0 : i32
        %dma_wait3A_1032 = tpu.memref_slice %arg6[%dma_wait3A_1030, %dma_wait3A_1031] : memref<768x128xf32, #tpu.memory_space<vmem>> -> memref<128x128xf32, #tpu.memory_space<vmem>>
        %dma_wait3A_1033 = arith.constant 0 : i32
        %dma_wait3A_1034 = arith.constant 0 : i32
        %dma_wait3A_1035 = tpu.memref_slice %arg4[%dma_wait3A_1033, %dma_wait3A_1034] : memref<100000x128xf32, #tpu.memory_space<hbm>> -> memref<128x128xf32, #tpu.memory_space<hbm>>
        %dma_wait3A_1036 = arith.constant 0 : i32
        %dma_wait3A_1037 = arith.constant 0 : i32
        %dma_wait3A_1038 = tpu.memref_slice %arg4[%dma_wait3A_1036, %dma_wait3A_1037] : memref<100000x128xf32, #tpu.memory_space<hbm>> -> memref<128x128xf32, #tpu.memory_space<hbm>>
        %dma_wait3A_1039 = arith.constant 256 : i32
        %dma_wait3A_1040 = arith.constant 0 : i32
        %dma_wait3A_1041 = tpu.memref_slice %arg6[%dma_wait3A_1039, %dma_wait3A_1040] : memref<768x128xf32, #tpu.memory_space<vmem>> -> memref<128x128xf32, #tpu.memory_space<vmem>>
        tpu.wait_dma2 semaphore(%arg20 : memref<!tpu.dma_semaphore, #tpu.memory_space<semaphore_mem>>) src(%dma_wait3A_1041 : memref<128x128xf32, #tpu.memory_space<vmem>>) dst(%dma_wait3A_1038 : memref<128x128xf32, #tpu.memory_space<hbm>>)
        %add3A_1042 = arith.constant 6 : i32
        %add3A_1043 = arith.addi %add3A_945, %add3A_1042 : i32
        %sub3A_1044 = arith.constant 1 : i32
        %sub3A_1045 = arith.subi %add3A_1043, %sub3A_1044 : i32
        %mul3A_1046 = arith.constant 128 : i32
        %mul3A_1047 = arith.muli %sub3A_1045, %mul3A_1046 : i32
        %dma_start3A_1048 = arith.constant 256 : i32
        %dma_start3A_1049 = arith.constant 0 : i32
        %dma_start3A_1050 = tpu.memref_slice %arg6[%dma_start3A_1048, %dma_start3A_1049] : memref<768x128xf32, #tpu.memory_space<vmem>> -> memref<128x128xf32, #tpu.memory_space<vmem>>
        %dma_start3A_1051 = tpu.memref_slice %arg5[%mul3A_1047] : memref<3200xi32, #tpu.memory_space<vmem>> -> memref<128xi32, #tpu.memory_space<vmem>>
        %dma_start3A_1052 = arith.constant 0 : i32
        %dma_start3A_1053 = arith.constant 0 : i32
        %dma_start3A_1054 = tpu.memref_slice %arg9[%dma_start3A_1052, %dma_start3A_1053] : memref<37x128xf32, #tpu.memory_space<vmem_shared>> -> memref<37x128xf32, #tpu.memory_space<vmem_shared>>
        tpu.enqueue_indirect_dma source(%dma_start3A_1054 : memref<37x128xf32, #tpu.memory_space<vmem_shared>>) target(%dma_start3A_1050 : memref<128x128xf32, #tpu.memory_space<vmem>>) offsets(%dma_start3A_1051 : memref<128xi32, #tpu.memory_space<vmem>>) semaphore(%arg14 : memref<!tpu.dma_semaphore, #tpu.memory_space<semaphore_mem>>)
      } else {
      }
      %mul3A_985 = arith.constant 6 : i32
      %mul3A_986 = arith.muli %scan3A_760, %mul3A_985 : i32
      %add3A_987 = arith.constant 5 : i32
      %add3A_988 = arith.addi %add3A_987, %mul3A_986 : i32
      %add3A_989 = arith.constant 5 : i32
      %add3A_990 = arith.addi %add3A_988, %add3A_989 : i32
      %dma_wait3A_991 = arith.constant 512 : i32
      %dma_wait3A_992 = arith.constant 0 : i32
      %dma_wait3A_993 = tpu.memref_slice %arg6[%dma_wait3A_991, %dma_wait3A_992] : memref<768x128xf32, #tpu.memory_space<vmem>> -> memref<128x128xf32, #tpu.memory_space<vmem>>
      %dma_wait3A_994 = arith.constant 0 : i32
      %dma_wait3A_995 = arith.constant 0 : i32
      %dma_wait3A_996 = tpu.memref_slice %arg4[%dma_wait3A_994, %dma_wait3A_995] : memref<100000x128xf32, #tpu.memory_space<hbm>> -> memref<128x128xf32, #tpu.memory_space<hbm>>
      %dma_wait3A_997 = arith.constant 512 : i32
      %dma_wait3A_998 = arith.constant 0 : i32
      %dma_wait3A_999 = tpu.memref_slice %arg6[%dma_wait3A_997, %dma_wait3A_998] : memref<768x128xf32, #tpu.memory_space<vmem>> -> memref<128x128xf32, #tpu.memory_space<vmem>>
      %dma_wait3A_1000 = arith.constant 0 : i32
      %dma_wait3A_1001 = arith.constant 0 : i32
      %dma_wait3A_1002 = tpu.memref_slice %arg4[%dma_wait3A_1000, %dma_wait3A_1001] : memref<100000x128xf32, #tpu.memory_space<hbm>> -> memref<128x128xf32, #tpu.memory_space<hbm>>
      tpu.wait_dma2 semaphore(%arg16 : memref<!tpu.dma_semaphore, #tpu.memory_space<semaphore_mem>>) src(%dma_wait3A_1002 : memref<128x128xf32, #tpu.memory_space<hbm>>) dst(%dma_wait3A_999 : memref<128x128xf32, #tpu.memory_space<vmem>>)
      %mul3A_1003 = arith.constant 32 : i32
      %mul3A_1004 = arith.muli %add3A_990, %mul3A_1003 : i32
      %add3A_1005 = arith.addi %add3A, %mul3A_1004 : i32
      %mul3A_1006 = arith.constant 128 : i32
      %mul3A_1007 = arith.muli %add3A_1005, %mul3A_1006 : i32
      %dma_start3A_1008 = arith.constant 512 : i32
      %dma_start3A_1009 = arith.constant 0 : i32
      %dma_start3A_1010 = tpu.memref_slice %arg6[%dma_start3A_1008, %dma_start3A_1009] : memref<768x128xf32, #tpu.memory_space<vmem>> -> memref<128x128xf32, #tpu.memory_space<vmem>>
      %dma_start3A_1011 = arith.constant 0 : i32
      %dma_start3A_1012 = tpu.memref_slice %arg4[%mul3A_1007, %dma_start3A_1011] : memref<100000x128xf32, #tpu.memory_space<hbm>> -> memref<128x128xf32, #tpu.memory_space<hbm>>
      %dma_start3A_1013 = arith.constant 0 : i32
      %dma_start3A_1014 = tpu.memref_slice %arg4[%mul3A_1007, %dma_start3A_1013] : memref<100000x128xf32, #tpu.memory_space<hbm>> -> memref<128x128xf32, #tpu.memory_space<hbm>>
      %dma_start3A_1015 = arith.constant 512 : i32
      %dma_start3A_1016 = arith.constant 0 : i32
      %dma_start3A_1017 = tpu.memref_slice %arg6[%dma_start3A_1015, %dma_start3A_1016] : memref<768x128xf32, #tpu.memory_space<vmem>> -> memref<128x128xf32, #tpu.memory_space<vmem>>
      tpu.enqueue_dma source(%dma_start3A_1017 : memref<128x128xf32, #tpu.memory_space<vmem>>) target(%dma_start3A_1014 : memref<128x128xf32, #tpu.memory_space<hbm>>) target_semaphore(%arg22 : memref<!tpu.dma_semaphore, #tpu.memory_space<semaphore_mem>>)
      %add3A_1018 = arith.constant 6 : i32
      %add3A_1019 = arith.addi %add3A_990, %add3A_1018 : i32
      %sub3A_1020 = arith.constant 1 : i32
      %sub3A_1021 = arith.subi %add3A_1019, %sub3A_1020 : i32
      %mul3A_1022 = arith.constant 32 : i32
      %mul3A_1023 = arith.muli %sub3A_1021, %mul3A_1022 : i32
      %add3A_1024 = arith.addi %add3A, %mul3A_1023 : i32
      %lt3A_1025 = arith.constant 781 : i32
      %lt3A_1026 = arith.cmpi slt, %add3A_1024, %lt3A_1025 : i32
      %convert_element_type3A_1027 = arith.extui %lt3A_1026 : i1 to i32
      %cond3A_1028 = arith.constant 0 : i32
      %cond3A_1029 = arith.cmpi ne, %convert_element_type3A_1027, %cond3A_1028 : i32
      scf.if %cond3A_1029 {
        %dma_wait3A_1030 = arith.constant 384 : i32
        %dma_wait3A_1031 = arith.constant 0 : i32
        %dma_wait3A_1032 = tpu.memref_slice %arg6[%dma_wait3A_1030, %dma_wait3A_1031] : memref<768x128xf32, #tpu.memory_space<vmem>> -> memref<128x128xf32, #tpu.memory_space<vmem>>
        %dma_wait3A_1033 = arith.constant 0 : i32
        %dma_wait3A_1034 = arith.constant 0 : i32
        %dma_wait3A_1035 = tpu.memref_slice %arg4[%dma_wait3A_1033, %dma_wait3A_1034] : memref<100000x128xf32, #tpu.memory_space<hbm>> -> memref<128x128xf32, #tpu.memory_space<hbm>>
        %dma_wait3A_1036 = arith.constant 0 : i32
        %dma_wait3A_1037 = arith.constant 0 : i32
        %dma_wait3A_1038 = tpu.memref_slice %arg4[%dma_wait3A_1036, %dma_wait3A_1037] : memref<100000x128xf32, #tpu.memory_space<hbm>> -> memref<128x128xf32, #tpu.memory_space<hbm>>
        %dma_wait3A_1039 = arith.constant 384 : i32
        %dma_wait3A_1040 = arith.constant 0 : i32
        %dma_wait3A_1041 = tpu.memref_slice %arg6[%dma_wait3A_1039, %dma_wait3A_1040] : memref<768x128xf32, #tpu.memory_space<vmem>> -> memref<128x128xf32, #tpu.memory_space<vmem>>
        tpu.wait_dma2 semaphore(%arg21 : memref<!tpu.dma_semaphore, #tpu.memory_space<semaphore_mem>>) src(%dma_wait3A_1041 : memref<128x128xf32, #tpu.memory_space<vmem>>) dst(%dma_wait3A_1038 : memref<128x128xf32, #tpu.memory_space<hbm>>)
        %add3A_1042 = arith.constant 6 : i32
        %add3A_1043 = arith.addi %add3A_990, %add3A_1042 : i32
        %sub3A_1044 = arith.constant 1 : i32
        %sub3A_1045 = arith.subi %add3A_1043, %sub3A_1044 : i32
        %mul3A_1046 = arith.constant 128 : i32
        %mul3A_1047 = arith.muli %sub3A_1045, %mul3A_1046 : i32
        %dma_start3A_1048 = arith.constant 384 : i32
        %dma_start3A_1049 = arith.constant 0 : i32
        %dma_start3A_1050 = tpu.memref_slice %arg6[%dma_start3A_1048, %dma_start3A_1049] : memref<768x128xf32, #tpu.memory_space<vmem>> -> memref<128x128xf32, #tpu.memory_space<vmem>>
        %dma_start3A_1051 = tpu.memref_slice %arg5[%mul3A_1047] : memref<3200xi32, #tpu.memory_space<vmem>> -> memref<128xi32, #tpu.memory_space<vmem>>
        %dma_start3A_1052 = arith.constant 0 : i32
        %dma_start3A_1053 = arith.constant 0 : i32
        %dma_start3A_1054 = tpu.memref_slice %arg9[%dma_start3A_1052, %dma_start3A_1053] : memref<37x128xf32, #tpu.memory_space<vmem_shared>> -> memref<37x128xf32, #tpu.memory_space<vmem_shared>>
        tpu.enqueue_indirect_dma source(%dma_start3A_1054 : memref<37x128xf32, #tpu.memory_space<vmem_shared>>) target(%dma_start3A_1050 : memref<128x128xf32, #tpu.memory_space<vmem>>) offsets(%dma_start3A_1051 : memref<128xi32, #tpu.memory_space<vmem>>) semaphore(%arg15 : memref<!tpu.dma_semaphore, #tpu.memory_space<semaphore_mem>>)
      } else {
      }
    }
    %scan3A_651 = arith.constant 3 : i32
    %dma_wait3A_652 = arith.constant 640 : i32
    %dma_wait3A_653 = arith.constant 0 : i32
    %dma_wait3A_654 = tpu.memref_slice %arg6[%dma_wait3A_652, %dma_wait3A_653] : memref<768x128xf32, #tpu.memory_space<vmem>> -> memref<128x128xf32, #tpu.memory_space<vmem>>
    %dma_wait3A_655 = arith.constant 0 : i32
    %dma_wait3A_656 = arith.constant 0 : i32
    %dma_wait3A_657 = tpu.memref_slice %arg4[%dma_wait3A_655, %dma_wait3A_656] : memref<100000x128xf32, #tpu.memory_space<hbm>> -> memref<128x128xf32, #tpu.memory_space<hbm>>
    %dma_wait3A_658 = arith.constant 640 : i32
    %dma_wait3A_659 = arith.constant 0 : i32
    %dma_wait3A_660 = tpu.memref_slice %arg6[%dma_wait3A_658, %dma_wait3A_659] : memref<768x128xf32, #tpu.memory_space<vmem>> -> memref<128x128xf32, #tpu.memory_space<vmem>>
    %dma_wait3A_661 = arith.constant 0 : i32
    %dma_wait3A_662 = arith.constant 0 : i32
    %dma_wait3A_663 = tpu.memref_slice %arg4[%dma_wait3A_661, %dma_wait3A_662] : memref<100000x128xf32, #tpu.memory_space<hbm>> -> memref<128x128xf32, #tpu.memory_space<hbm>>
    tpu.wait_dma2 semaphore(%arg17 : memref<!tpu.dma_semaphore, #tpu.memory_space<semaphore_mem>>) src(%dma_wait3A_663 : memref<128x128xf32, #tpu.memory_space<hbm>>) dst(%dma_wait3A_660 : memref<128x128xf32, #tpu.memory_space<vmem>>)
    %add3A_664 = arith.constant 736 : i32
    %add3A_665 = arith.addi %add3A, %add3A_664 : i32
    %mul3A_666 = arith.constant 128 : i32
    %mul3A_667 = arith.muli %add3A_665, %mul3A_666 : i32
    %dma_start3A_668 = arith.constant 640 : i32
    %dma_start3A_669 = arith.constant 0 : i32
    %dma_start3A_670 = tpu.memref_slice %arg6[%dma_start3A_668, %dma_start3A_669] : memref<768x128xf32, #tpu.memory_space<vmem>> -> memref<128x128xf32, #tpu.memory_space<vmem>>
    %dma_start3A_671 = arith.constant 0 : i32
    %dma_start3A_672 = tpu.memref_slice %arg4[%mul3A_667, %dma_start3A_671] : memref<100000x128xf32, #tpu.memory_space<hbm>> -> memref<128x128xf32, #tpu.memory_space<hbm>>
    %dma_start3A_673 = arith.constant 0 : i32
    %dma_start3A_674 = tpu.memref_slice %arg4[%mul3A_667, %dma_start3A_673] : memref<100000x128xf32, #tpu.memory_space<hbm>> -> memref<128x128xf32, #tpu.memory_space<hbm>>
    %dma_start3A_675 = arith.constant 640 : i32
    %dma_start3A_676 = arith.constant 0 : i32
    %dma_start3A_677 = tpu.memref_slice %arg6[%dma_start3A_675, %dma_start3A_676] : memref<768x128xf32, #tpu.memory_space<vmem>> -> memref<128x128xf32, #tpu.memory_space<vmem>>
    tpu.enqueue_dma source(%dma_start3A_677 : memref<128x128xf32, #tpu.memory_space<vmem>>) target(%dma_start3A_674 : memref<128x128xf32, #tpu.memory_space<hbm>>) target_semaphore(%arg23 : memref<!tpu.dma_semaphore, #tpu.memory_space<semaphore_mem>>)
    %lt3A_678 = arith.constant 13 : i32
    %lt3A_679 = arith.cmpi slt, %add3A, %lt3A_678 : i32
    %convert_element_type3A_680 = arith.extui %lt3A_679 : i1 to i32
    %cond3A_681 = arith.constant 0 : i32
    %cond3A_682 = arith.cmpi ne, %convert_element_type3A_680, %cond3A_681 : i32
    scf.if %cond3A_682 {
      %dma_wait3A_760 = arith.constant 0 : i32
      %dma_wait3A_761 = arith.constant 0 : i32
      %dma_wait3A_762 = tpu.memref_slice %arg6[%dma_wait3A_760, %dma_wait3A_761] : memref<768x128xf32, #tpu.memory_space<vmem>> -> memref<128x128xf32, #tpu.memory_space<vmem>>
      %dma_wait3A_763 = arith.constant 0 : i32
      %dma_wait3A_764 = arith.constant 0 : i32
      %dma_wait3A_765 = tpu.memref_slice %arg4[%dma_wait3A_763, %dma_wait3A_764] : memref<100000x128xf32, #tpu.memory_space<hbm>> -> memref<128x128xf32, #tpu.memory_space<hbm>>
      %dma_wait3A_766 = arith.constant 0 : i32
      %dma_wait3A_767 = arith.constant 0 : i32
      %dma_wait3A_768 = tpu.memref_slice %arg6[%dma_wait3A_766, %dma_wait3A_767] : memref<768x128xf32, #tpu.memory_space<vmem>> -> memref<128x128xf32, #tpu.memory_space<vmem>>
      %dma_wait3A_769 = arith.constant 0 : i32
      %dma_wait3A_770 = arith.constant 0 : i32
      %dma_wait3A_771 = tpu.memref_slice %arg4[%dma_wait3A_769, %dma_wait3A_770] : memref<100000x128xf32, #tpu.memory_space<hbm>> -> memref<128x128xf32, #tpu.memory_space<hbm>>
      tpu.wait_dma2 semaphore(%arg12 : memref<!tpu.dma_semaphore, #tpu.memory_space<semaphore_mem>>) src(%dma_wait3A_771 : memref<128x128xf32, #tpu.memory_space<hbm>>) dst(%dma_wait3A_768 : memref<128x128xf32, #tpu.memory_space<vmem>>)
      %add3A_772 = arith.constant 768 : i32
      %add3A_773 = arith.addi %add3A, %add3A_772 : i32
      %mul3A_774 = arith.constant 128 : i32
      %mul3A_775 = arith.muli %add3A_773, %mul3A_774 : i32
      %dma_start3A_776 = arith.constant 0 : i32
      %dma_start3A_777 = arith.constant 0 : i32
      %dma_start3A_778 = tpu.memref_slice %arg6[%dma_start3A_776, %dma_start3A_777] : memref<768x128xf32, #tpu.memory_space<vmem>> -> memref<128x128xf32, #tpu.memory_space<vmem>>
      %dma_start3A_779 = arith.constant 0 : i32
      %dma_start3A_780 = tpu.memref_slice %arg4[%mul3A_775, %dma_start3A_779] : memref<100000x128xf32, #tpu.memory_space<hbm>> -> memref<128x128xf32, #tpu.memory_space<hbm>>
      %dma_start3A_781 = arith.constant 0 : i32
      %dma_start3A_782 = tpu.memref_slice %arg4[%mul3A_775, %dma_start3A_781] : memref<100000x128xf32, #tpu.memory_space<hbm>> -> memref<128x128xf32, #tpu.memory_space<hbm>>
      %dma_start3A_783 = arith.constant 0 : i32
      %dma_start3A_784 = arith.constant 0 : i32
      %dma_start3A_785 = tpu.memref_slice %arg6[%dma_start3A_783, %dma_start3A_784] : memref<768x128xf32, #tpu.memory_space<vmem>> -> memref<128x128xf32, #tpu.memory_space<vmem>>
      tpu.enqueue_dma source(%dma_start3A_785 : memref<128x128xf32, #tpu.memory_space<vmem>>) target(%dma_start3A_782 : memref<128x128xf32, #tpu.memory_space<hbm>>) target_semaphore(%arg18 : memref<!tpu.dma_semaphore, #tpu.memory_space<semaphore_mem>>)
    } else {
    }
    %eq3A_683 = arith.constant 31 : i32
    %eq3A_684 = arith.cmpi eq, %add3A, %eq3A_683 : i32
    %convert_element_type3A_685 = arith.extui %eq3A_684 : i1 to i32
    %cond3A_686 = arith.constant 0 : i32
    %cond3A_687 = arith.cmpi ne, %convert_element_type3A_685, %cond3A_686 : i32
    scf.if %cond3A_687 {
      "tpu.region"() ({
        %run_scoped3A = tpu.sem_alloc : memref<!tpu.dma_semaphore, #tpu.memory_space<semaphore_mem>>
        %dma_start3A_766 = arith.constant 99968 : i32
        %dma_start3A_767 = tpu.memref_slice %arg2[%dma_start3A_766] : memref<100000xi32, #tpu.memory_space<hbm>> -> memref<32xi32, #tpu.memory_space<hbm>>
        %dma_start3A_768 = arith.constant 99968 : i32
        %dma_start3A_769 = tpu.memref_slice %arg2[%dma_start3A_768] : memref<100000xi32, #tpu.memory_space<hbm>> -> memref<32xi32, #tpu.memory_space<hbm>>
        tpu.enqueue_dma source(%dma_start3A_769 : memref<32xi32, #tpu.memory_space<hbm>>) target(%arg7 : memref<32xi32, #tpu.memory_space<vmem>>) target_semaphore(%run_scoped3A : memref<!tpu.dma_semaphore, #tpu.memory_space<semaphore_mem>>)
        %dma_wait3A_770 = arith.constant 99968 : i32
        %dma_wait3A_771 = tpu.memref_slice %arg2[%dma_wait3A_770] : memref<100000xi32, #tpu.memory_space<hbm>> -> memref<32xi32, #tpu.memory_space<hbm>>
        %dma_wait3A_772 = arith.constant 99968 : i32
        %dma_wait3A_773 = tpu.memref_slice %arg2[%dma_wait3A_772] : memref<100000xi32, #tpu.memory_space<hbm>> -> memref<32xi32, #tpu.memory_space<hbm>>
        tpu.wait_dma2 semaphore(%run_scoped3A : memref<!tpu.dma_semaphore, #tpu.memory_space<semaphore_mem>>) src(%dma_wait3A_773 : memref<32xi32, #tpu.memory_space<hbm>>) dst(%arg7 : memref<32xi32, #tpu.memory_space<vmem>>)
        tpu.yield
      }) : () -> ()
      %dma_start3A_760 = arith.constant 0 : i32
      %dma_start3A_761 = arith.constant 0 : i32
      %dma_start3A_762 = tpu.memref_slice %arg9[%dma_start3A_760, %dma_start3A_761] : memref<37x128xf32, #tpu.memory_space<vmem_shared>> -> memref<37x128xf32, #tpu.memory_space<vmem_shared>>
      tpu.enqueue_indirect_dma source(%dma_start3A_762 : memref<37x128xf32, #tpu.memory_space<vmem_shared>>) target(%arg8 : memref<32x128xf32, #tpu.memory_space<vmem>>) offsets(%arg7 : memref<32xi32, #tpu.memory_space<vmem>>) semaphore(%arg11 : memref<!tpu.dma_semaphore, #tpu.memory_space<semaphore_mem>>)
      %dma_wait3A_763 = arith.constant 0 : i32
      %dma_wait3A_764 = arith.constant 0 : i32
      %dma_wait3A_765 = tpu.memref_slice %arg9[%dma_wait3A_763, %dma_wait3A_764] : memref<37x128xf32, #tpu.memory_space<vmem_shared>> -> memref<37x128xf32, #tpu.memory_space<vmem_shared>>
      tpu.wait_indirect_dma semaphore(%arg11 : memref<!tpu.dma_semaphore, #tpu.memory_space<semaphore_mem>>) src(%dma_wait3A_765 : memref<37x128xf32, #tpu.memory_space<vmem_shared>>) dst(%arg8 : memref<32x128xf32, #tpu.memory_space<vmem>>)
      "tpu.region"() ({
        %run_scoped3A = tpu.sem_alloc : memref<!tpu.dma_semaphore, #tpu.memory_space<semaphore_mem>>
        %dma_start3A_766 = arith.constant 99968 : i32
        %dma_start3A_767 = arith.constant 0 : i32
        %dma_start3A_768 = tpu.memref_slice %arg4[%dma_start3A_766, %dma_start3A_767] : memref<100000x128xf32, #tpu.memory_space<hbm>> -> memref<32x128xf32, #tpu.memory_space<hbm>>
        %dma_start3A_769 = arith.constant 99968 : i32
        %dma_start3A_770 = arith.constant 0 : i32
        %dma_start3A_771 = tpu.memref_slice %arg4[%dma_start3A_769, %dma_start3A_770] : memref<100000x128xf32, #tpu.memory_space<hbm>> -> memref<32x128xf32, #tpu.memory_space<hbm>>
        tpu.enqueue_dma source(%arg8 : memref<32x128xf32, #tpu.memory_space<vmem>>) target(%dma_start3A_771 : memref<32x128xf32, #tpu.memory_space<hbm>>) target_semaphore(%run_scoped3A : memref<!tpu.dma_semaphore, #tpu.memory_space<semaphore_mem>>)
        %dma_wait3A_772 = arith.constant 99968 : i32
        %dma_wait3A_773 = arith.constant 0 : i32
        %dma_wait3A_774 = tpu.memref_slice %arg4[%dma_wait3A_772, %dma_wait3A_773] : memref<100000x128xf32, #tpu.memory_space<hbm>> -> memref<32x128xf32, #tpu.memory_space<hbm>>
        %dma_wait3A_775 = arith.constant 99968 : i32
        %dma_wait3A_776 = arith.constant 0 : i32
        %dma_wait3A_777 = tpu.memref_slice %arg4[%dma_wait3A_775, %dma_wait3A_776] : memref<100000x128xf32, #tpu.memory_space<hbm>> -> memref<32x128xf32, #tpu.memory_space<hbm>>
        tpu.wait_dma2 semaphore(%run_scoped3A : memref<!tpu.dma_semaphore, #tpu.memory_space<semaphore_mem>>) src(%arg8 : memref<32x128xf32, #tpu.memory_space<vmem>>) dst(%dma_wait3A_777 : memref<32x128xf32, #tpu.memory_space<hbm>>)
        tpu.yield
      }) : () -> ()
    } else {
    }
    %dma_wait3A_688 = arith.constant 0 : i32
    %dma_wait3A_689 = arith.constant 0 : i32
    %dma_wait3A_690 = tpu.memref_slice %arg6[%dma_wait3A_688, %dma_wait3A_689] : memref<768x128xf32, #tpu.memory_space<vmem>> -> memref<128x128xf32, #tpu.memory_space<vmem>>
    %dma_wait3A_691 = arith.constant 0 : i32
    %dma_wait3A_692 = arith.constant 0 : i32
    %dma_wait3A_693 = tpu.memref_slice %arg4[%dma_wait3A_691, %dma_wait3A_692] : memref<100000x128xf32, #tpu.memory_space<hbm>> -> memref<128x128xf32, #tpu.memory_space<hbm>>
    %dma_wait3A_694 = arith.constant 0 : i32
    %dma_wait3A_695 = arith.constant 0 : i32
    %dma_wait3A_696 = tpu.memref_slice %arg4[%dma_wait3A_694, %dma_wait3A_695] : memref<100000x128xf32, #tpu.memory_space<hbm>> -> memref<128x128xf32, #tpu.memory_space<hbm>>
    %dma_wait3A_697 = arith.constant 0 : i32
    %dma_wait3A_698 = arith.constant 0 : i32
    %dma_wait3A_699 = tpu.memref_slice %arg6[%dma_wait3A_697, %dma_wait3A_698] : memref<768x128xf32, #tpu.memory_space<vmem>> -> memref<128x128xf32, #tpu.memory_space<vmem>>
    tpu.wait_dma2 semaphore(%arg18 : memref<!tpu.dma_semaphore, #tpu.memory_space<semaphore_mem>>) src(%dma_wait3A_699 : memref<128x128xf32, #tpu.memory_space<vmem>>) dst(%dma_wait3A_696 : memref<128x128xf32, #tpu.memory_space<hbm>>)
    %dma_wait3A_700 = arith.constant 128 : i32
    %dma_wait3A_701 = arith.constant 0 : i32
    %dma_wait3A_702 = tpu.memref_slice %arg6[%dma_wait3A_700, %dma_wait3A_701] : memref<768x128xf32, #tpu.memory_space<vmem>> -> memref<128x128xf32, #tpu.memory_space<vmem>>
    %dma_wait3A_703 = arith.constant 0 : i32
    %dma_wait3A_704 = arith.constant 0 : i32
    %dma_wait3A_705 = tpu.memref_slice %arg4[%dma_wait3A_703, %dma_wait3A_704] : memref<100000x128xf32, #tpu.memory_space<hbm>> -> memref<128x128xf32, #tpu.memory_space<hbm>>
    %dma_wait3A_706 = arith.constant 0 : i32
    %dma_wait3A_707 = arith.constant 0 : i32
    %dma_wait3A_708 = tpu.memref_slice %arg4[%dma_wait3A_706, %dma_wait3A_707] : memref<100000x128xf32, #tpu.memory_space<hbm>> -> memref<128x128xf32, #tpu.memory_space<hbm>>
    %dma_wait3A_709 = arith.constant 128 : i32
    %dma_wait3A_710 = arith.constant 0 : i32
    %dma_wait3A_711 = tpu.memref_slice %arg6[%dma_wait3A_709, %dma_wait3A_710] : memref<768x128xf32, #tpu.memory_space<vmem>> -> memref<128x128xf32, #tpu.memory_space<vmem>>
    tpu.wait_dma2 semaphore(%arg19 : memref<!tpu.dma_semaphore, #tpu.memory_space<semaphore_mem>>) src(%dma_wait3A_711 : memref<128x128xf32, #tpu.memory_space<vmem>>) dst(%dma_wait3A_708 : memref<128x128xf32, #tpu.memory_space<hbm>>)
    %dma_wait3A_712 = arith.constant 256 : i32
    %dma_wait3A_713 = arith.constant 0 : i32
    %dma_wait3A_714 = tpu.memref_slice %arg6[%dma_wait3A_712, %dma_wait3A_713] : memref<768x128xf32, #tpu.memory_space<vmem>> -> memref<128x128xf32, #tpu.memory_space<vmem>>
    %dma_wait3A_715 = arith.constant 0 : i32
    %dma_wait3A_716 = arith.constant 0 : i32
    %dma_wait3A_717 = tpu.memref_slice %arg4[%dma_wait3A_715, %dma_wait3A_716] : memref<100000x128xf32, #tpu.memory_space<hbm>> -> memref<128x128xf32, #tpu.memory_space<hbm>>
    %dma_wait3A_718 = arith.constant 0 : i32
    %dma_wait3A_719 = arith.constant 0 : i32
    %dma_wait3A_720 = tpu.memref_slice %arg4[%dma_wait3A_718, %dma_wait3A_719] : memref<100000x128xf32, #tpu.memory_space<hbm>> -> memref<128x128xf32, #tpu.memory_space<hbm>>
    %dma_wait3A_721 = arith.constant 256 : i32
    %dma_wait3A_722 = arith.constant 0 : i32
    %dma_wait3A_723 = tpu.memref_slice %arg6[%dma_wait3A_721, %dma_wait3A_722] : memref<768x128xf32, #tpu.memory_space<vmem>> -> memref<128x128xf32, #tpu.memory_space<vmem>>
    tpu.wait_dma2 semaphore(%arg20 : memref<!tpu.dma_semaphore, #tpu.memory_space<semaphore_mem>>) src(%dma_wait3A_723 : memref<128x128xf32, #tpu.memory_space<vmem>>) dst(%dma_wait3A_720 : memref<128x128xf32, #tpu.memory_space<hbm>>)
    %dma_wait3A_724 = arith.constant 384 : i32
    %dma_wait3A_725 = arith.constant 0 : i32
    %dma_wait3A_726 = tpu.memref_slice %arg6[%dma_wait3A_724, %dma_wait3A_725] : memref<768x128xf32, #tpu.memory_space<vmem>> -> memref<128x128xf32, #tpu.memory_space<vmem>>
    %dma_wait3A_727 = arith.constant 0 : i32
    %dma_wait3A_728 = arith.constant 0 : i32
    %dma_wait3A_729 = tpu.memref_slice %arg4[%dma_wait3A_727, %dma_wait3A_728] : memref<100000x128xf32, #tpu.memory_space<hbm>> -> memref<128x128xf32, #tpu.memory_space<hbm>>
    %dma_wait3A_730 = arith.constant 0 : i32
    %dma_wait3A_731 = arith.constant 0 : i32
    %dma_wait3A_732 = tpu.memref_slice %arg4[%dma_wait3A_730, %dma_wait3A_731] : memref<100000x128xf32, #tpu.memory_space<hbm>> -> memref<128x128xf32, #tpu.memory_space<hbm>>
    %dma_wait3A_733 = arith.constant 384 : i32
    %dma_wait3A_734 = arith.constant 0 : i32
    %dma_wait3A_735 = tpu.memref_slice %arg6[%dma_wait3A_733, %dma_wait3A_734] : memref<768x128xf32, #tpu.memory_space<vmem>> -> memref<128x128xf32, #tpu.memory_space<vmem>>
    tpu.wait_dma2 semaphore(%arg21 : memref<!tpu.dma_semaphore, #tpu.memory_space<semaphore_mem>>) src(%dma_wait3A_735 : memref<128x128xf32, #tpu.memory_space<vmem>>) dst(%dma_wait3A_732 : memref<128x128xf32, #tpu.memory_space<hbm>>)
    %dma_wait3A_736 = arith.constant 512 : i32
    %dma_wait3A_737 = arith.constant 0 : i32
    %dma_wait3A_738 = tpu.memref_slice %arg6[%dma_wait3A_736, %dma_wait3A_737] : memref<768x128xf32, #tpu.memory_space<vmem>> -> memref<128x128xf32, #tpu.memory_space<vmem>>
    %dma_wait3A_739 = arith.constant 0 : i32
    %dma_wait3A_740 = arith.constant 0 : i32
    %dma_wait3A_741 = tpu.memref_slice %arg4[%dma_wait3A_739, %dma_wait3A_740] : memref<100000x128xf32, #tpu.memory_space<hbm>> -> memref<128x128xf32, #tpu.memory_space<hbm>>
    %dma_wait3A_742 = arith.constant 0 : i32
    %dma_wait3A_743 = arith.constant 0 : i32
    %dma_wait3A_744 = tpu.memref_slice %arg4[%dma_wait3A_742, %dma_wait3A_743] : memref<100000x128xf32, #tpu.memory_space<hbm>> -> memref<128x128xf32, #tpu.memory_space<hbm>>
    %dma_wait3A_745 = arith.constant 512 : i32
    %dma_wait3A_746 = arith.constant 0 : i32
    %dma_wait3A_747 = tpu.memref_slice %arg6[%dma_wait3A_745, %dma_wait3A_746] : memref<768x128xf32, #tpu.memory_space<vmem>> -> memref<128x128xf32, #tpu.memory_space<vmem>>
    tpu.wait_dma2 semaphore(%arg22 : memref<!tpu.dma_semaphore, #tpu.memory_space<semaphore_mem>>) src(%dma_wait3A_747 : memref<128x128xf32, #tpu.memory_space<vmem>>) dst(%dma_wait3A_744 : memref<128x128xf32, #tpu.memory_space<hbm>>)
    %dma_wait3A_748 = arith.constant 640 : i32
    %dma_wait3A_749 = arith.constant 0 : i32
    %dma_wait3A_750 = tpu.memref_slice %arg6[%dma_wait3A_748, %dma_wait3A_749] : memref<768x128xf32, #tpu.memory_space<vmem>> -> memref<128x128xf32, #tpu.memory_space<vmem>>
    %dma_wait3A_751 = arith.constant 0 : i32
    %dma_wait3A_752 = arith.constant 0 : i32
    %dma_wait3A_753 = tpu.memref_slice %arg4[%dma_wait3A_751, %dma_wait3A_752] : memref<100000x128xf32, #tpu.memory_space<hbm>> -> memref<128x128xf32, #tpu.memory_space<hbm>>
    %dma_wait3A_754 = arith.constant 0 : i32
    %dma_wait3A_755 = arith.constant 0 : i32
    %dma_wait3A_756 = tpu.memref_slice %arg4[%dma_wait3A_754, %dma_wait3A_755] : memref<100000x128xf32, #tpu.memory_space<hbm>> -> memref<128x128xf32, #tpu.memory_space<hbm>>
    %dma_wait3A_757 = arith.constant 640 : i32
    %dma_wait3A_758 = arith.constant 0 : i32
    %dma_wait3A_759 = tpu.memref_slice %arg6[%dma_wait3A_757, %dma_wait3A_758] : memref<768x128xf32, #tpu.memory_space<vmem>> -> memref<128x128xf32, #tpu.memory_space<vmem>>
    tpu.wait_dma2 semaphore(%arg23 : memref<!tpu.dma_semaphore, #tpu.memory_space<semaphore_mem>>) src(%dma_wait3A_759 : memref<128x128xf32, #tpu.memory_space<vmem>>) dst(%dma_wait3A_756 : memref<128x128xf32, #tpu.memory_space<hbm>>)
    return
  }
}

</mosaic_0001>

<sc_bundles>
// kernel: kernel.3.cloned.1.call-start
scs
__scs_entry_jumppad:
0x0: {  	(pc) =	sbr.rel $0x88, $3  }
0x1: {  	(tag) =	ssettag $0x0;
	lr =	simm.s32 $0x1  }
0x2: {  	[smem:$0x3F9F] =	sst lr;
	_ =	strace $0xD0000000  }
0x3: {  	_ = 	snop  }
0x4: {  	_ = 	snop  }
0x5: {  	_ = 	snop  }
0x6: {  	_ = 	snop  }
0x7: {  	_ = 	snop  }
__scs_overlays_trampoline_lowered:
0x8: {  	[smem:$0x3FAE] =	sst s0  }
0x9: {  	[smem:$0x3FAF] =	sst s1  }
0xa: {  	[smem:$0x3FB0] =	sst s2  }
0xb: {  	[smem:$0x3FB1] =	sst s3  }
0xc: {  	[smem:$0x3FB2] =	sst s4  }
0xd: {  	[smem:$0x3FB3] =	sst s5  }
0xe: {  	[smem:$0x3FB4] =	sst s6  }
0xf: {  	[smem:$0x3FB5] =	sst s7  }
0x10: {  	[smem:$0x3FB6] =	sst s8  }
0x11: {  	[smem:$0x3FB7] =	sst s9;
	s0 =	simm.s32 @!p0 $0x0  }
0x12: {  	s1 =	sld [smem:$0x3F9D];
	s0 =	simm.s32 @p0 $0x1  }
0x13: {  	[smem:$0x3FB8] =	sst s0;
	s0 =	simm.s32 @!p1 $0x0  }
0x14: {  	s2 =	sld [smem:$0x3F9C];
	s0 =	simm.s32 @p1 $0x1  }
0x15: {  	[smem:$0x3FB9] =	sst s0;
	s0 =	simm.s32 @!p2 $0x0  }
0x16: {  	s3 =	sld [smem:$0x3FDB];
	s0 =	simm.s32 @p2 $0x1  }
0x17: {  	s4 =	simm.s32 $0x1BF5;
	[smem:$0x3FBB] =	sst s0  }
0x18: {  	s0 =	sld [smem:$0x3F9E];
	_ =	swait.ge [sflag:s4], $0x0  }
0x19: {  	s7 =	sld [smem:$0x3F9F]  }
0x1a: {  	s8 =	sadd.s32 $0xFFFFE003, lr  }
0x1b: {  	s9 =	sadd.s32 $0xFFFFFEF7, lr;
	s5 =	simm.s32 $0xFFFFFFFF;
	p2 =	slt.u32 s8, $0xFFFFF086  }
0x1c: {  	p1 =	slt.u32 s9, $0xF7A;
	s5 =	simm.s32 @!p2 $0x0  }
0x1d: {  	s5 =	simm.s32 @p1 $0x1;
	p0 =	seq.s32 s7, s2  }
0x1e: {  	s7 =	smul.u32 @!p0 $0xF7A, s2;
	p2 =	seq.s32 @!p0 s5, $0x0  }
0x1f: {  	s9 =	smul.u32 $0xF7A, s1;
	s8 =	simm.s32 @!p0 $0x1BF5;
	p2 =	por !p2, p0  }
0x20: {  	[sflag:s8] =	ssyncset.s32 @!p0 $0xFFFFF086;
	s6 =	sadd.s32 @!p0 s3, s7;
	s7 =	simm.s32 @!p0 $0x108  }
0x21: {  	s3 =	sadd.s32 s3, s9;
	s6 =	sadd.s32 @!p0 $0x88, s6;
	s7 =	simm.s32 @p2 $0x1082  }
0x22: {  	[simem:s7], [sflag:s8] =	dma.local @!p0 [hbm:s6], $0xF7A  }
0x23: {  	s9 =	sor.u32 $0xD0000000, s2;
	s6 =	simm.s32 $0x108;
	_ =	swait.ge @!p0 [sflag:s8], $0x0  }
0x24: {  	s3 =	sadd.s32 $0x88, s3;
	s6 =	simm.s32 @!p1 $0x1082;
	[sflag:s4] =	ssyncset.s32 $0xFFFFF086  }
0x25: {  	[simem:s6], [sflag:s4] =	dma.local [hbm:s3], $0xF7A  }
0x26: {  	[smem:$0x3F9F] =	sst s1;
	(tag) =	ssettag s2;
	_ =	strace s9  }
0x27: {  	s1 =	sld [smem:$0x3FAF]  }
0x28: {  	s2 =	sld [smem:$0x3FB0]  }
0x29: {  	s4 =	sld [smem:$0x3FB2]  }
0x2a: {  	p0 =	seq.s32 s5, $0x0;
	s5 =	sld [smem:$0x3FB3]  }
0x2b: {  	s6 =	sld [smem:$0x3FB4]  }
0x2c: {  	s7 =	sld [smem:$0x3FB5]  }
0x2d: {  	s3 =	simm.s32 $0x108;
	s8 =	sld [smem:$0x3FB6]  }
0x2e: {  	s3 =	simm.s32 @!p0 $0x1082;
	s9 =	sld [smem:$0x3FB7]  }
0x2f: {  	lr =	sadd.s32 s0, s3;
	s0 =	sld [smem:$0x3FAE]  }
0x30: {  	s3 =	sld [smem:$0x3FB1]  }
0x31: {  	[smem:$0x3FBA] =	sst s10  }
0x32: {  	s10 =	sld [smem:$0x3FB8];
	_ =	sdelay $0x3  }
0x33: {  	p0 =	seq.s32 s10, $0x1;
	s10 =	sld [smem:$0x3FBA];
	_ =	sdelay $0x3  }
0x34: {  	[smem:$0x3FBA] =	sst s10  }
0x35: {  	s10 =	sld [smem:$0x3FB9];
	_ =	sdelay $0x3  }
0x36: {  	p1 =	seq.s32 s10, $0x1;
	s10 =	sld [smem:$0x3FBA];
	_ =	sdelay $0x3  }
0x37: {  	[smem:$0x3FBA] =	sst s10  }
0x38: {  	s10 =	sld [smem:$0x3FBB]  }
0x39: {  	_ = 	snop;
	(pc) =	sbr.ind lr, $3  }
0x3a: {  	_ = 	snop  }
0x3b: {  	_ = 	snop  }
0x3c: {  	p2 =	seq.s32 s10, $0x1;
	s10 =	sld [smem:$0x3FBA]  }
0x3d: {  	_ =	shalt  }
0x3e: {  	_ =	shalt  }
0x3f: {  	_ =	shalt  }
0x40: {  	_ =	shalt  }
0x41: {  	_ =	shalt  }
0x42: {  	_ =	shalt  }
0x43: {  	_ =	shalt  }
0x44: {  	_ =	shalt  }
0x45: {  	_ =	shalt  }
0x46: {  	_ =	shalt  }
0x47: {  	_ =	shalt  }
0x48: {  	_ =	shalt  }
0x49: {  	_ =	shalt  }
0x4a: {  	_ =	shalt  }
0x4b: {  	_ =	shalt  }
0x4c: {  	_ =	shalt  }
0x4d: {  	_ =	shalt  }
0x4e: {  	_ =	shalt  }
0x4f: {  	_ =	shalt  }
0x50: {  	_ =	shalt  }
0x51: {  	_ =	shalt  }
0x52: {  	_ =	shalt  }
0x53: {  	_ =	shalt  }
0x54: {  	_ =	shalt  }
0x55: {  	_ =	shalt  }
0x56: {  	_ =	shalt  }
0x57: {  	_ =	shalt  }
0x58: {  	_ =	shalt  }
0x59: {  	_ =	shalt  }
0x5a: {  	_ =	shalt  }
0x5b: {  	_ =	shalt  }
0x5c: {  	_ =	shalt  }
0x5d: {  	_ =	shalt  }
0x5e: {  	_ =	shalt  }
0x5f: {  	_ =	shalt  }
0x60: {  	_ =	shalt  }
0x61: {  	_ =	shalt  }
0x62: {  	_ =	shalt  }
0x63: {  	_ =	shalt  }
0x64: {  	_ =	shalt  }
0x65: {  	_ =	shalt  }
0x66: {  	_ =	shalt  }
0x67: {  	_ =	shalt  }
0x68: {  	_ =	shalt  }
0x69: {  	_ =	shalt  }
0x6a: {  	_ =	shalt  }
0x6b: {  	_ =	shalt  }
0x6c: {  	_ =	shalt  }
0x6d: {  	_ =	shalt  }
0x6e: {  	_ =	shalt  }
0x6f: {  	_ =	shalt  }
0x70: {  	_ =	shalt  }
0x71: {  	_ =	shalt  }
0x72: {  	_ =	shalt  }
0x73: {  	_ =	shalt  }
0x74: {  	_ =	shalt  }
0x75: {  	_ =	shalt  }
0x76: {  	_ =	shalt  }
0x77: {  	_ =	shalt  }
0x78: {  	_ =	shalt  }
0x79: {  	_ =	shalt  }
0x7a: {  	_ =	shalt  }
0x7b: {  	_ =	shalt  }
0x7c: {  	_ =	shalt  }
0x7d: {  	_ =	shalt  }
0x7e: {  	_ =	shalt  }
0x7f: {  	_ =	shalt  }
0x80: {  	_ =	shalt  }
0x81: {  	_ =	shalt  }
0x82: {  	_ =	shalt  }
0x83: {  	_ =	shalt  }
0x84: {  	_ =	shalt  }
0x85: {  	_ =	shalt  }
0x86: {  	_ =	shalt  }
0x87: {  	_ =	shalt  }
.Lfunc_end0:
.L_simem_size_0:
called_computation_lowered:
.L_overlay_start_0:
0x88: {  	s2 =	sld [smem:$0x3FD9]  }
0x89: {  	s3 =	sld [smem:$0x3FFE];
	_ =	sdelay $0x1  }
0x8a: {  	s1 =	srdreg.scid  }
0x8b: {  	s0 =	sand.u32 $0x1, s1  }
0x8c: {  	s18 =	sshll.u32 s0, $0xA;
	s2 =	sadd.s32 s3, s2  }
0x8d: {  	s2 =	sadd.s32 s2, s18  }
0x8e: {  	[smem:$0x3FC6] =	sst s2  }
0x8f: {  	_ = 	snop  }
0x90: {  	s2 =	sld [smem:$0x3FC9]  }
0x91: {  	s19 =	sld [smem:$0x3FC8]  }
0x92: {  	s4 =	sld [smem:$0x3FD0];
	(tm) =	ssettm $0x1  }
0x93: {  	s5 =	sld [smem:$0x3FFB];
	_ =	sdelay $0x3  }
0x94: {  	_ =	strace s5  }
0x95: {  	s5 =	sld [smem:$0x3FFC];
	_ =	sdelay $0x3  }
0x96: {  	_ =	strace s5  }
0x97: {  	s5 =	sld [smem:$0x3FFD];
	_ =	sdelay $0x3  }
0x98: {  	_ =	strace s5  }
0x99: {  	_ =	strace $0x8FFFFFFF  }
0x9a: {  	s20 =	sld [smem:$0x3FDB];
	_ =	sdelay $0x1  }
0x9b: {  	s6 =	simm.s32 $_scs_section_size  }
0x9c: {  	s7 =	simm.s32 $_size__tile_overlayer_lowered;
	s8 =	simm.s32 $_tile_overlayer_lowered  }
0x9d: {  	s23 =	simm.s32 $0x1BFF;
	s22 =	sshll.u32 s8, $0x1;
	s5 =	sadd.s32 s6, s20  }
0x9e: {  	s9 =	simm.s32 $0x0;
	s21 =	sshll.u32 s7, $0x1;
	s7 =	sadd.s32 s22, s5  }
0x9f: {  	[timem:s9], [sflag:s23] =	dma.local [hbm:s7], s21  }
0xa0: {  	_ =	swait.ge [sflag:s23], s21  }
0xa1: {  	s6 =	ssub.s32 $0x0, s21;
	[sflag:s23] =	ssyncset.done $0x0  }
0xa2: {  	[sflag:s23] =	ssyncadd.s32 s6;
	_ =	sdelay $0x1  }
0xa3: {  	s24 =	simm.s32 $0x1B8B  }
0xa4: {  	_ =	swait.ge [sflag:s24], $0x1  }
0xa5: {  	[sflag:s24] =	ssyncset.done $0x0  }
0xa6: {  	s25 =	simm.s32 $0x1B8E;
	[sflag:s24] =	ssyncadd.s32 $0xFFFFFFFF  }
0xa7: {  	s26 =	simm.s32 $execute0_lowered;
	[smem:$0x3FD2] =	sst s25  }
0xa8: {  	s6 =	sshll.u32 s26, $0x1;
	_ =	strace $0x80000046;
	[dreg:$0x1] =	wrdreg $0xFFFFFFFF  }
0xa9: {  	s28 =	simm.s32 $_size_execute0_lowered;
	s5 =	sadd.s32 s5, s6;
	[dreg:$0x0] =	wrdreg $0x0  }
0xaa: {  	s6 =	sshll.u32 s28, $0x1;
	[dreg:$0x2] =	wrdreg s5  }
0xab: {  	[dreg:$0x3] =	wrdreg s6  }
0xac: {  	[dreg:$0x4] =	wrdreg $0xC0  }
0xad: {  	_ =	task [dreg:s9], $0x5FFFF  }
0xae: {  	[dreg:$0x1] =	wrdreg $0xFFFFFFFF  }
0xaf: {  	[dreg:$0x0] =	wrdreg $0x60  }
0xb0: {  	[dreg:$0x2] =	wrdreg s2  }
0xb1: {  	[dreg:$0x3] =	wrdreg s19  }
0xb2: {  	[dreg:$0x4] =	wrdreg s4  }
0xb3: {  	[dreg:$0x5] =	wrdreg $0x19D000  }
0xb4: {  	[dreg:$0x6] =	wrdreg $0x9  }
0xb5: {  	_ =	task.clear_ibuf [dreg:s9], $0x7FFFF;
	_ =	strace $0x90000046  }
0xb6: {  	s29 =	simm.s32 $0x9;
	_ =	strace $0x80000048  }
0xb7: {  	_ =	swait.ge [sflag:s29], $0x1  }
0xb8: {  	[sflag:s29] =	ssyncadd.s32 $0xFFFFFFFF  }
0xb9: {  	_ =	strace $0x90000048  }
0xba: {  	_ =	sfence  }
0xbb: {  	s30 =	sld [smem:$0x0];
	_ =	sdelay $0x2  }
0xbc: {  	s31 =	sshll.u32 s1, $0xD;
	s1 =	sshrl.u32 s1, $0x2  }
0xbd: {  	s3 =	sand.u32 $0x4000, s31;
	s1 =	sadd.s32 s1, s30  }
0xbe: {  	s0 =	sor.u32 s3, s0;
	s1 =	sshll.u32 s1, $0x11  }
0xbf: {  	s0 =	sor.u32 s1, s0  }
0xc0: {  	s0 =	sadd.s32 $0x8F2B, s0  }
0xc1: {  	[sflag:s0] =	ssyncadd.remote.s32 $0x1  }
0xc2: {  	_ =	sfence.sel $0xFFFF  }
0xc3: {  	[dreg:$0x0] =	wrdreg $0xFFFFFFFF;
	(pc) =	sbr.abs _section_cstart, $3  }
0xc4: {  	[dreg:$0x1] =	wrdreg $0xFFFFFFFF  }
0xc5: {  	_ =	task.clear_ibuf [dreg:s9], $0x2FFFF;
	_ =	strace $0x9FFFFFFF  }
0xc6: {  	(tm) =	ssettm $0x7FFFFFFF  }
0xc7: {  	_ =	shalt  }
tec
execute0_lowered:
.L_overlay_start_1:
0x0: {  	(tag) =	ssettag $0x1  }
0x1: {  	s0 =	rddreg [dreg:$0x0]  }
0x2: {  	s1 =	rddreg [dreg:$0x2];
	s3 =	srdreg.scid  }
0x3: {  	s4 =	stileid.u32;
	s2 =	rddreg [dreg:$0x3];
	s28 =	simm.s32 $0x8C80  }
0x4: {  	s29 =	simm.s32 $0xCC80;
	s30 =	simm.s32 $0x10C80;
	s31 =	simm.s32 $0x3  }
0x5: {  	s5 =	sand.u32 $0x1, s3;
	s6 =	sshll.u32 s4, $0x1;
	s3 =	simm.s32 $0x0  }
0x6: {  	s16 =	sshll.u32 s4, $0xC;
	p0 =	sne.s32 s4, $0x0;
	s6 =	sor.u32 s5, s6  }
0x7: {  	[smem:$0x7FF] =	sst s3;
	s7 =	ssub.s32 $0x2, s5;
	s5 =	sshll.u32 s5, $0xB  }
0x8: {  	s8 =	sshll.u32 s6, $0x7;
	_ =	strace $0x80000047;
	s20 =	sshll.u32 s6, $0x4  }
0x9: {  	s9 =	sshrl.u32 s7, $0x1;
	s10 =	sor.u32 $0x1000, s8;
	s15 =	sadd.s32 s0, s20  }
0xa: {  	s7 =	ssub.s32 s7, s9;
	s25 =	sadd.s32 $0xA00, s15;
	[dreg:$0x5] =	wrdreg s15  }
0xb: {  	s9 =	sor.u32 $0x2000, s8;
	s26 =	sadd.s32 $0xC00, s15;
	[dreg:$0xa] =	wrdreg s25  }
0xc: {  	s12 =	sor.u32 $0x3000, s8;
	s17 =	sadd.s32 $0x1000, s15;
	[dreg:$0xb] =	wrdreg s26  }
0xd: {  	s13 =	sor.u32 $0x4000, s8;
	s18 =	sadd.s32 $0x1200, s15;
	[dreg:$0xd] =	wrdreg s17  }
0xe: {  	s11 =	sshrl.u32 s10, $0x3;
	s7 =	smax.u32 s7, $0x1;
	[dreg:$0xe] =	wrdreg s18  }
0xf: {  	s22 =	sshrl.u32 s9, $0x3;
	s21 =	sadd.s32 s0, s11;
	[dreg:$0x18] =	wrdreg s7  }
0x10: {  	s14 =	sshrl.u32 s13, $0x3;
	s11 =	sadd.s32 s0, s22;
	[dreg:$0x6] =	wrdreg s21  }
0x11: {  	s8 =	sor.u32 $0x17000, s8;
	s24 =	sadd.s32 s0, s14;
	[dreg:$0x7] =	wrdreg s11  }
0x12: {  	s19 =	sshrl.u32 s8, $0x3;
	s14 =	sadd.s32 $0xE00, s15;
	[dreg:$0x9] =	wrdreg s24  }
0x13: {  	s26 =	sshll.u32 s8, $0x4;
	s8 =	sadd.s32 $0x1400, s15;
	[dreg:$0xc] =	wrdreg s14  }
0x14: {  	s22 =	sshll.u32 s9, $0x4;
	s9 =	sadd.s32 $0x1600, s15;
	[dreg:$0x19] =	wrdreg s8  }
0x15: {  	s25 =	sshll.u32 s13, $0x4;
	s13 =	sadd.s32 $0x1C00, s15;
	[dreg:$0x1a] =	wrdreg s9  }
0x16: {  	s23 =	sshrl.u32 s12, $0x3;
	s18 =	sadd.s32 $0x2200, s15;
	[dreg:$0x1d] =	wrdreg s13  }
0x17: {  	p1 =	sgt.u32 s6, $0xC;
	s11 =	sadd.s32 s0, s23;
	[smem:$0x7F6] =	sst s18  }
0x18: {  	s21 =	sshll.u32 s10, $0x4;
	s10 =	sadd.s32 $0x1800, s15;
	[dreg:$0x8] =	wrdreg s11  }
0x19: {  	s23 =	sshll.u32 s12, $0x4;
	s12 =	sadd.s32 $0x1A00, s15;
	[dreg:$0x1b] =	wrdreg s10  }
0x1a: {  	s20 =	sshll.u32 s6, $0xB;
	s14 =	sadd.s32 $0x1E00, s15;
	[dreg:$0x1c] =	wrdreg s12  }
0x1b: {  	p2 =	sne.s32 @p1 s6, $0x1F;
	s4 =	sadd.s32 s1, s21;
	[dreg:$0x1e] =	wrdreg s14  }
0x1c: {  	p2 =	por p2, !p1;
	s24 =	sadd.s32 s1, s23;
	[dreg:$0x11] =	wrdreg s4  }
0x1d: {  	s11 =	sadd.s32 s16, s1;
	s16 =	sadd.s32 $0x2000, s15;
	[dreg:$0x13] =	wrdreg s24  }
0x1e: {  	s7 =	simm.s32 $0x6;
	s21 =	sadd.s32 $0x2600, s15;
	[dreg:$0x1f] =	wrdreg s16  }
0x1f: {  	s13 =	simm.s32 $0x80;
	s23 =	sadd.s32 $0x2A00, s15;
	[smem:$0x7F8] =	sst s21  }
0x20: {  	s5 =	sadd.s32 s5, s11;
	s11 =	sadd.s32 s0, s19;
	[smem:$0x7FA] =	sst s23  }
0x21: {  	s8 =	simm.s32 $0x7;
	s4 =	sadd.s32 s1, s22;
	[dreg:$0xf] =	wrdreg s11  }
0x22: {  	s9 =	simm.s32 $0x8;
	s0 =	sadd.s32 $0x30D0, s0;
	[dreg:$0x12] =	wrdreg s4  }
0x23: {  	s18 =	simm.s32 $0xD;
	s19 =	sadd.s32 $0x2400, s15;
	[dreg:$0x16] =	wrdreg s0  }
0x24: {  	s10 =	simm.s32 $0xE;
	s22 =	sadd.s32 $0x2800, s15;
	[smem:$0x7F7] =	sst s19  }
0x25: {  	s24 =	sadd.s32 $0x2C00, s15;
	s11 =	sadd.s32 s1, s20;
	[smem:$0x7F9] =	sst s22  }
0x26: {  	s4 =	sadd.s32 s1, s25;
	s20 =	ssub.s32 $0x30D, s6;
	[smem:$0x7FB] =	sst s24  }
0x27: {  	s6 =	sadd.s32 $0x186800, s1;
	s17 =	sadd.s32 $0x50000, s5;
	[dreg:$0x14] =	wrdreg s4  }
0x28: {  	s25 =	sadd.s32 $0x3000, s15;
	s15 =	simm.s32 $0x1;
	[dreg:$0x17] =	wrdreg s6  }
0x29: {  	s24 =	simm.s32 $0xC80;
	s0 =	simm.s32 $0x4;
	[smem:$0x7FC] =	sst s25  }
0x2a: {  	s19 =	simm.s32 $0x0;
	s4 =	sadd.s32 s1, s26;
	[dreg:$0x10] =	wrdreg s11  }
0x2b: {  	s26 =	sadd.s32 $0x180000, s11;
	s1 =	simm.s32 $0x14C80;
	[dreg:$0x15] =	wrdreg s4  }
0x2c: {  	s6 =	simm.s32 $0x5;
	[smem:$0x7FD] =	sst s26;
	s26 =	simm.s32 $0x4C80  }
.LBB2_1:
0x2d: {  	s4 =	rddreg [dreg:$0x5]  }
0x2e: {  	[tilespmem:s3], [sflag:$0x1] =	stream.linear.gather [hbm4b:s4+s3], $0x80, $0x38;
	[tilespmem:$0x19E28] =	vst v63  }
0x2f: {  	s22 =	rddreg [dreg:$0x6]  }
0x30: {  	[tilespmem:s13], [sflag:$0x1] =	stream.linear.gather [hbm4b:s22+s3], $0x80, $0x38;
	[tilespmem:$0x19E28] =	vst v63  }
0x31: {  	s23 =	rddreg [dreg:$0x7];
	s16 =	simm.s32 $0x100  }
0x32: {  	[tilespmem:s16], [sflag:$0x1] =	stream.linear.gather [hbm4b:s23+s3], $0x80, $0x38;
	[tilespmem:$0x19E28] =	vst v63  }
0x33: {  	s25 =	rddreg [dreg:$0x8];
	s21 =	simm.s32 $0x180  }
0x34: {  	[tilespmem:s21], [sflag:$0x1] =	stream.linear.gather [hbm4b:s25+s3], $0x80, $0x38;
	[tilespmem:$0x19E28] =	vst v63  }
0x35: {  	s5 =	rddreg [dreg:$0x9];
	s22 =	simm.s32 $0x200  }
0x36: {  	[tilespmem:s22], [sflag:$0x1] =	stream.linear.gather [hbm4b:s5+s3], $0x80, $0x38;
	[tilespmem:$0x19E28] =	vst v63  }
0x37: {  	s11 =	rddreg [dreg:$0xa];
	s23 =	simm.s32 $0x280  }
0x38: {  	[tilespmem:s23], [sflag:$0x1] =	stream.linear.gather [hbm4b:s11+s3], $0x80, $0x38;
	[tilespmem:$0x19E28] =	vst v63  }
0x39: {  	s12 =	rddreg [dreg:$0xb];
	s25 =	simm.s32 $0x300  }
0x3a: {  	[tilespmem:s25], [sflag:$0x1] =	stream.linear.gather [hbm4b:s12+s3], $0x80, $0x38;
	[tilespmem:$0x19E28] =	vst v63  }
0x3b: {  	s14 =	rddreg [dreg:$0xc];
	s5 =	simm.s32 $0x380  }
0x3c: {  	[tilespmem:s5], [sflag:$0x1] =	stream.linear.gather [hbm4b:s14+s3], $0x80, $0x38;
	[tilespmem:$0x19E28] =	vst v63  }
0x3d: {  	s11 =	simm.s32 $0x400;
	s5 =	rddreg [dreg:$0xd]  }
0x3e: {  	[tilespmem:s11], [sflag:$0x1] =	stream.linear.gather [hbm4b:s5+s3], $0x80, $0x38;
	[tilespmem:$0x19E28] =	vst v63  }
0x3f: {  	s12 =	rddreg [dreg:$0xe];
	s14 =	simm.s32 $0x480  }
0x40: {  	[tilespmem:s14], [sflag:$0x1] =	stream.linear.gather [hbm4b:s12+s3], $0x80, $0x38;
	[tilespmem:$0x19E28] =	vst v63  }
0x41: {  	s5 =	rddreg [dreg:$0x19];
	s11 =	simm.s32 $0x500  }
0x42: {  	[tilespmem:s11], [sflag:$0x1] =	stream.linear.gather [hbm4b:s5+s3], $0x80, $0x38;
	[tilespmem:$0x19E28] =	vst v63  }
0x43: {  	s5 =	rddreg [dreg:$0x1a];
	s11 =	simm.s32 $0x580  }
0x44: {  	[tilespmem:s11], [sflag:$0x1] =	stream.linear.gather [hbm4b:s5+s3], $0x80, $0x38;
	[tilespmem:$0x19E28] =	vst v63  }
0x45: {  	s5 =	rddreg [dreg:$0x1b];
	s11 =	simm.s32 $0x600  }
0x46: {  	[tilespmem:s11], [sflag:$0x1] =	stream.linear.gather [hbm4b:s5+s3], $0x80, $0x38;
	[tilespmem:$0x19E28] =	vst v63  }
0x47: {  	s5 =	rddreg [dreg:$0x1c];
	s11 =	simm.s32 $0x680  }
0x48: {  	[tilespmem:s11], [sflag:$0x1] =	stream.linear.gather [hbm4b:s5+s3], $0x80, $0x38;
	[tilespmem:$0x19E28] =	vst v63  }
0x49: {  	s5 =	rddreg [dreg:$0x1d];
	s11 =	simm.s32 $0x700  }
0x4a: {  	[tilespmem:s11], [sflag:$0x1] =	stream.linear.gather [hbm4b:s5+s3], $0x80, $0x38;
	[tilespmem:$0x19E28] =	vst v63  }
0x4b: {  	s5 =	rddreg [dreg:$0x1e];
	s11 =	simm.s32 $0x780  }
0x4c: {  	[tilespmem:s11], [sflag:$0x1] =	stream.linear.gather [hbm4b:s5+s3], $0x80, $0x38;
	[tilespmem:$0x19E28] =	vst v63  }
0x4d: {  	s5 =	rddreg [dreg:$0x1f];
	s11 =	simm.s32 $0x800  }
0x4e: {  	[tilespmem:s11], [sflag:$0x1] =	stream.linear.gather [hbm4b:s5+s3], $0x80, $0x38;
	[tilespmem:$0x19E28] =	vst v63  }
0x4f: {  	s5 =	sld [smem:$0x7F6];
	_ =	sdelay $0x1  }
0x50: {  	s11 =	simm.s32 $0x880  }
0x51: {  	[tilespmem:s11], [sflag:$0x1] =	stream.linear.gather [hbm4b:s5+s3], $0x80, $0x38;
	[tilespmem:$0x19E28] =	vst v63  }
0x52: {  	s5 =	sld [smem:$0x7F7];
	_ =	sdelay $0x1  }
0x53: {  	s11 =	simm.s32 $0x900  }
0x54: {  	[tilespmem:s11], [sflag:$0x1] =	stream.linear.gather [hbm4b:s5+s3], $0x80, $0x38;
	[tilespmem:$0x19E28] =	vst v63  }
0x55: {  	s5 =	sld [smem:$0x7F8];
	_ =	sdelay $0x1  }
0x56: {  	s11 =	simm.s32 $0x980  }
0x57: {  	[tilespmem:s11], [sflag:$0x1] =	stream.linear.gather [hbm4b:s5+s3], $0x80, $0x38;
	[tilespmem:$0x19E28] =	vst v63  }
0x58: {  	s5 =	sld [smem:$0x7F9];
	_ =	sdelay $0x1  }
0x59: {  	s11 =	simm.s32 $0xA00  }
0x5a: {  	[tilespmem:s11], [sflag:$0x1] =	stream.linear.gather [hbm4b:s5+s3], $0x80, $0x38;
	[tilespmem:$0x19E28] =	vst v63  }
0x5b: {  	s5 =	sld [smem:$0x7FA];
	_ =	sdelay $0x1  }
0x5c: {  	s11 =	simm.s32 $0xA80  }
0x5d: {  	[tilespmem:s11], [sflag:$0x1] =	stream.linear.gather [hbm4b:s5+s3], $0x80, $0x38;
	[tilespmem:$0x19E28] =	vst v63  }
0x5e: {  	s5 =	sld [smem:$0x7FB];
	_ =	sdelay $0x1  }
0x5f: {  	s11 =	simm.s32 $0xB00  }
0x60: {  	[tilespmem:s11], [sflag:$0x1] =	stream.linear.gather [hbm4b:s5+s3], $0x80, $0x38;
	[tilespmem:$0x19E28] =	vst v63  }
0x61: {  	s5 =	rddreg [dreg:$0xf];
	s11 =	simm.s32 $0xB80  }
0x62: {  	[tilespmem:s11], [sflag:$0x1] =	stream.linear.gather [hbm4b:s5+s3], $0x80, $0x38;
	[tilespmem:$0x19E28] =	vst v63  }
0x63: {  	s4 =	sshrl.u32 @!p0 s2, $0x3;
	s5 =	simm.s32 @!p0 $0x1C0F;
	s11 =	rddreg [dreg:$0x1]  }
0x64: {  	[spmem:s4], [sflag:s5] =	dma.local @!p0 [hbm:s11], $0x250  }
0x65: {  	s4 =	simm.s32 @!p0 $0xF  }
0x66: {  	_ =	swait.ge @!p0 [sflag:s4], $0x250  }
0x67: {  	s11 =	sld [smem:$0x7FC]  }
0x68: {  	[sflag:s4] =	ssyncset.done @!p0 $0x0  }
0x69: {  	s5 =	simm.s32 @!p1 $0xC00;
	[sflag:s4] =	ssyncadd.s32 @!p0 $0xFFFFFDB0;
	s4 =	simm.s32 @!p1 $0x0  }
0x6a: {  	[tilespmem:s5], [sflag:$0xF] =	stream.linear.gather @!p1 [hbm4b:s11+s4], $0x80, $0x38;
	[tilespmem:$0x19E28] =	vst v63  }
0x6b: {  	s4 =	simm.s32 @!p1 $0xF  }
0x6c: {  	_ =	swait.ge @!p1 [sflag:s4], $0x80  }
0x6d: {  	[sflag:s4] =	ssyncset.done @!p1 $0x0  }
0x6e: {  	[sflag:s4] =	ssyncadd.s32 @!p1 $0xFFFFFF80  }
0x6f: {  	_ =	swait.ge [sflag:s15], $0x80  }
0x70: {  	[sflag:s15] =	ssyncset.done $0x0  }
0x71: {  	[sflag:s15] =	ssyncadd.s32 $0xFFFFFF80  }
0x72: {  	_ =	swait.ge [sflag:s15], $0x80  }
0x73: {  	[sflag:s15] =	ssyncset.done $0x0  }
0x74: {  	[sflag:s15] =	ssyncadd.s32 $0xFFFFFF80  }
0x75: {  	_ =	swait.ge [sflag:s15], $0x80  }
0x76: {  	[sflag:s15] =	ssyncset.done $0x0  }
0x77: {  	[sflag:s15] =	ssyncadd.s32 $0xFFFFFF80  }
0x78: {  	_ =	swait.ge [sflag:s15], $0x80  }
0x79: {  	[sflag:s15] =	ssyncset.done $0x0  }
0x7a: {  	[sflag:s15] =	ssyncadd.s32 $0xFFFFFF80  }
0x7b: {  	_ =	swait.ge [sflag:s15], $0x80  }
0x7c: {  	[sflag:s15] =	ssyncset.done $0x0  }
0x7d: {  	[sflag:s15] =	ssyncadd.s32 $0xFFFFFF80  }
0x7e: {  	_ =	swait.ge [sflag:s15], $0x80  }
0x7f: {  	[sflag:s15] =	ssyncset.done $0x0  }
0x80: {  	[sflag:s15] =	ssyncadd.s32 $0xFFFFFF80  }
0x81: {  	_ =	swait.ge [sflag:s15], $0x80  }
0x82: {  	[sflag:s15] =	ssyncset.done $0x0  }
0x83: {  	[sflag:s15] =	ssyncadd.s32 $0xFFFFFF80  }
0x84: {  	_ =	swait.ge [sflag:s15], $0x80  }
0x85: {  	[sflag:s15] =	ssyncset.done $0x0  }
0x86: {  	[sflag:s15] =	ssyncadd.s32 $0xFFFFFF80  }
0x87: {  	_ =	swait.ge [sflag:s15], $0x80  }
0x88: {  	[sflag:s15] =	ssyncset.done $0x0  }
0x89: {  	[sflag:s15] =	ssyncadd.s32 $0xFFFFFF80  }
0x8a: {  	_ =	swait.ge [sflag:s15], $0x80  }
0x8b: {  	[sflag:s15] =	ssyncset.done $0x0  }
0x8c: {  	[sflag:s15] =	ssyncadd.s32 $0xFFFFFF80  }
0x8d: {  	_ =	swait.ge [sflag:s15], $0x80  }
0x8e: {  	[sflag:s15] =	ssyncset.done $0x0  }
0x8f: {  	[sflag:s15] =	ssyncadd.s32 $0xFFFFFF80  }
0x90: {  	_ =	swait.ge [sflag:s15], $0x80  }
0x91: {  	[sflag:s15] =	ssyncset.done $0x0  }
0x92: {  	[sflag:s15] =	ssyncadd.s32 $0xFFFFFF80  }
0x93: {  	_ =	swait.ge [sflag:s15], $0x80  }
0x94: {  	[sflag:s15] =	ssyncset.done $0x0  }
0x95: {  	[sflag:s15] =	ssyncadd.s32 $0xFFFFFF80  }
0x96: {  	_ =	swait.ge [sflag:s15], $0x80  }
0x97: {  	[sflag:s15] =	ssyncset.done $0x0  }
0x98: {  	[sflag:s15] =	ssyncadd.s32 $0xFFFFFF80  }
0x99: {  	_ =	swait.ge [sflag:s15], $0x80  }
0x9a: {  	[sflag:s15] =	ssyncset.done $0x0  }
0x9b: {  	[sflag:s15] =	ssyncadd.s32 $0xFFFFFF80  }
0x9c: {  	_ =	swait.ge [sflag:s15], $0x80  }
0x9d: {  	[sflag:s15] =	ssyncset.done $0x0  }
0x9e: {  	[sflag:s15] =	ssyncadd.s32 $0xFFFFFF80  }
0x9f: {  	_ =	swait.ge [sflag:s15], $0x80  }
0xa0: {  	[sflag:s15] =	ssyncset.done $0x0  }
0xa1: {  	[sflag:s15] =	ssyncadd.s32 $0xFFFFFF80  }
0xa2: {  	_ =	swait.ge [sflag:s15], $0x80  }
0xa3: {  	[sflag:s15] =	ssyncset.done $0x0  }
0xa4: {  	[sflag:s15] =	ssyncadd.s32 $0xFFFFFF80  }
0xa5: {  	_ =	swait.ge [sflag:s15], $0x80  }
0xa6: {  	[sflag:s15] =	ssyncset.done $0x0  }
0xa7: {  	[sflag:s15] =	ssyncadd.s32 $0xFFFFFF80  }
0xa8: {  	_ =	swait.ge [sflag:s15], $0x80  }
0xa9: {  	[sflag:s15] =	ssyncset.done $0x0  }
0xaa: {  	[sflag:s15] =	ssyncadd.s32 $0xFFFFFF80  }
0xab: {  	_ =	swait.ge [sflag:s15], $0x80  }
0xac: {  	[sflag:s15] =	ssyncset.done $0x0  }
0xad: {  	[sflag:s15] =	ssyncadd.s32 $0xFFFFFF80  }
0xae: {  	_ =	swait.ge [sflag:s15], $0x80  }
0xaf: {  	[sflag:s15] =	ssyncset.done $0x0  }
0xb0: {  	[sflag:s15] =	ssyncadd.s32 $0xFFFFFF80  }
0xb1: {  	_ =	swait.ge [sflag:s15], $0x80  }
0xb2: {  	[sflag:s15] =	ssyncset.done $0x0  }
0xb3: {  	[sflag:s15] =	ssyncadd.s32 $0xFFFFFF80  }
0xb4: {  	_ =	swait.ge [sflag:s15], $0x80  }
0xb5: {  	[sflag:s15] =	ssyncset.done $0x0  }
0xb6: {  	[sflag:s15] =	ssyncadd.s32 $0xFFFFFF80  }
0xb7: {  	[bflag:$0x0] =	sbarrier.arrive $0xFFFF  }
0xb8: {  	[tilespmem:s24], [sflag:$0x3] =	stream.indirect.gather [spmem:s2], $0x80, s3, s13, $0xb8;
	[tilespmem:$0x19E28] =	vst v63  }
0xb9: {  	_ = 	snop  }
0xba: {  	[tilespmem:s26], [sflag:$0x4] =	stream.indirect.gather [spmem:s2], $0x80, s13, s13, $0xb8;
	[tilespmem:$0x19E28] =	vst v63  }
0xbb: {  	_ = 	snop  }
0xbc: {  	[tilespmem:s28], [sflag:$0x5] =	stream.indirect.gather [spmem:s2], $0x80, s16, s13, $0xb8;
	[tilespmem:$0x19E28] =	vst v63  }
0xbd: {  	_ = 	snop  }
0xbe: {  	[tilespmem:s29], [sflag:$0x6] =	stream.indirect.gather [spmem:s2], $0x80, s21, s13, $0xb8;
	[tilespmem:$0x19E28] =	vst v63  }
0xbf: {  	_ = 	snop  }
0xc0: {  	[tilespmem:s30], [sflag:$0x7] =	stream.indirect.gather [spmem:s2], $0x80, s22, s13, $0xb8;
	[tilespmem:$0x19E28] =	vst v63  }
0xc1: {  	_ =	swait.ge [sflag:s31], $0x4000  }
0xc2: {  	[sflag:s31] =	ssyncset.done $0x0  }
0xc3: {  	s22 =	rddreg [dreg:$0x10];
	[sflag:s31] =	ssyncadd.s32 $0xFFFFC000  }
0xc4: {  	[hbm4b:s22+s3] =	stream.linear.scatter [tilespmem:s24], [sflag:$0x9], $0x4000, $0x38;
	[tilespmem:$0x19E28] =	vst v63  }
0xc5: {  	_ = 	snop  }
0xc6: {  	[tilespmem:s1], [sflag:$0x8] =	stream.indirect.gather [spmem:s2], $0x80, s23, s13, $0xb8;
	[tilespmem:$0x19E28] =	vst v63  }
0xc7: {  	_ =	swait.ge [sflag:s0], $0x4000  }
0xc8: {  	[sflag:s0] =	ssyncset.done $0x0  }
0xc9: {  	s12 =	simm.s32 $0x9;
	s5 =	rddreg [dreg:$0x11];
	[sflag:s0] =	ssyncadd.s32 $0xFFFFC000  }
0xca: {  	[hbm4b:s5+s3] =	stream.linear.scatter [tilespmem:s26], [sflag:$0xA], $0x4000, $0x38;
	[tilespmem:$0x19E28] =	vst v63  }
0xcb: {  	_ =	swait.ge [sflag:s12], $0x4000  }
0xcc: {  	[sflag:s12] =	ssyncset.done $0x0  }
0xcd: {  	[sflag:s12] =	ssyncadd.s32 $0xFFFFC000  }
0xce: {  	[tilespmem:s24], [sflag:$0x3] =	stream.indirect.gather [spmem:s2], $0x80, s25, s13, $0xb8;
	[tilespmem:$0x19E28] =	vst v63  }
0xcf: {  	_ =	swait.ge [sflag:s6], $0x4000  }
0xd0: {  	[sflag:s6] =	ssyncset.done $0x0  }
0xd1: {  	s12 =	simm.s32 $0xA;
	s11 =	rddreg [dreg:$0x12];
	[sflag:s6] =	ssyncadd.s32 $0xFFFFC000  }
0xd2: {  	[hbm4b:s11+s3] =	stream.linear.scatter [tilespmem:s28], [sflag:$0xB], $0x4000, $0x38;
	[tilespmem:$0x19E28] =	vst v63  }
0xd3: {  	_ =	swait.ge [sflag:s12], $0x4000  }
0xd4: {  	[sflag:s12] =	ssyncset.done $0x0  }
0xd5: {  	s16 =	simm.s32 $0x380;
	[sflag:s12] =	ssyncadd.s32 $0xFFFFC000  }
0xd6: {  	[tilespmem:s26], [sflag:$0x4] =	stream.indirect.gather [spmem:s2], $0x80, s16, s13, $0xb8;
	[tilespmem:$0x19E28] =	vst v63  }
0xd7: {  	_ =	swait.ge [sflag:s7], $0x4000  }
0xd8: {  	[sflag:s7] =	ssyncset.done $0x0  }
0xd9: {  	s16 =	simm.s32 $0xB;
	s21 =	rddreg [dreg:$0x13];
	[sflag:s7] =	ssyncadd.s32 $0xFFFFC000  }
0xda: {  	[hbm4b:s21+s3] =	stream.linear.scatter [tilespmem:s29], [sflag:$0xC], $0x4000, $0x38;
	[tilespmem:$0x19E28] =	vst v63  }
0xdb: {  	_ =	swait.ge [sflag:s16], $0x4000  }
0xdc: {  	[sflag:s16] =	ssyncset.done $0x0  }
0xdd: {  	s22 =	simm.s32 $0x400;
	[sflag:s16] =	ssyncadd.s32 $0xFFFFC000  }
0xde: {  	[tilespmem:s28], [sflag:$0x5] =	stream.indirect.gather [spmem:s2], $0x80, s22, s13, $0xb8;
	[tilespmem:$0x19E28] =	vst v63  }
0xdf: {  	_ =	swait.ge [sflag:s8], $0x4000  }
0xe0: {  	[sflag:s8] =	ssyncset.done $0x0  }
0xe1: {  	s14 =	simm.s32 $0xC;
	s23 =	rddreg [dreg:$0x14];
	[sflag:s8] =	ssyncadd.s32 $0xFFFFC000  }
0xe2: {  	[hbm4b:s23+s3] =	stream.linear.scatter [tilespmem:s30], [sflag:$0xD], $0x4000, $0x38;
	[tilespmem:$0x19E28] =	vst v63  }
0xe3: {  	_ =	swait.ge [sflag:s14], $0x4000  }
0xe4: {  	[sflag:s14] =	ssyncset.done $0x0  }
0xe5: {  	s25 =	simm.s32 $0x480;
	[sflag:s14] =	ssyncadd.s32 $0xFFFFC000  }
0xe6: {  	[tilespmem:s29], [sflag:$0x6] =	stream.indirect.gather [spmem:s2], $0x80, s25, s13, $0xb8;
	[tilespmem:$0x19E28] =	vst v63  }
0xe7: {  	_ =	swait.ge [sflag:s9], $0x4000  }
0xe8: {  	[sflag:s9] =	ssyncset.done $0x0  }
0xe9: {  	[sflag:s9] =	ssyncadd.s32 $0xFFFFC000  }
0xea: {  	[hbm4b:s17+s3] =	stream.linear.scatter [tilespmem:s1], [sflag:$0xE], $0x4000, $0x38;
	[tilespmem:$0x19E28] =	vst v63  }
0xeb: {  	_ =	swait.ge [sflag:s18], $0x4000  }
0xec: {  	[sflag:s18] =	ssyncset.done $0x0  }
0xed: {  	s5 =	simm.s32 $0x500;
	[sflag:s18] =	ssyncadd.s32 $0xFFFFC000  }
0xee: {  	[tilespmem:s30], [sflag:$0x7] =	stream.indirect.gather [spmem:s2], $0x80, s5, s13, $0xb8;
	[tilespmem:$0x19E28] =	vst v63  }
0xef: {  	_ =	swait.ge [sflag:s31], $0x4000  }
0xf0: {  	[sflag:s31] =	ssyncset.done $0x0  }
0xf1: {  	s11 =	sadd.s32 $0x10000, s17;
	[sflag:s31] =	ssyncadd.s32 $0xFFFFC000  }
0xf2: {  	[hbm4b:s11+s3] =	stream.linear.scatter [tilespmem:s24], [sflag:$0x9], $0x4000, $0x38;
	[tilespmem:$0x19E28] =	vst v63  }
0xf3: {  	_ =	swait.ge [sflag:s10], $0x4000  }
0xf4: {  	[sflag:s10] =	ssyncset.done $0x0  }
0xf5: {  	s14 =	simm.s32 $0x580;
	[sflag:s10] =	ssyncadd.s32 $0xFFFFC000  }
0xf6: {  	[tilespmem:s1], [sflag:$0x8] =	stream.indirect.gather [spmem:s2], $0x80, s14, s13, $0xb8;
	[tilespmem:$0x19E28] =	vst v63  }
0xf7: {  	_ =	swait.ge [sflag:s0], $0x4000  }
0xf8: {  	p3 =	sle.u32 s20, $0x180;
	[sflag:s0] =	ssyncset.done $0x0  }
0xf9: {  	s21 =	sadd.s32 $0x20000, s17;
	s5 =	simm.s32 @!p3 $0x9;
	[sflag:s0] =	ssyncadd.s32 $0xFFFFC000  }
0xfa: {  	[hbm4b:s21+s3] =	stream.linear.scatter [tilespmem:s26], [sflag:$0xA], $0x4000, $0x38;
	[tilespmem:$0x19E28] =	vst v63  }
0xfb: {  	_ =	swait.ge @!p3 [sflag:s5], $0x4000  }
0xfc: {  	s4 =	simm.s32 @!p3 $0xC80;
	[sflag:s5] =	ssyncset.done @!p3 $0x0  }
0xfd: {  	s11 =	simm.s32 @!p3 $0x600;
	s14 =	simm.s32 @!p3 $0x80;
	[sflag:s5] =	ssyncadd.s32 @!p3 $0xFFFFC000  }
0xfe: {  	[tilespmem:s4], [sflag:$0x3] =	stream.indirect.gather @!p3 [spmem:s2], $0x80, s11, s14, $0xb8;
	[tilespmem:$0x19E28] =	vst v63  }
0xff: {  	_ =	swait.ge [sflag:s6], $0x4000  }
0x100: {  	p3 =	sle.u32 s20, $0x1A0;
	[sflag:s6] =	ssyncset.done $0x0  }
0x101: {  	s22 =	sadd.s32 $0x30000, s17;
	s5 =	simm.s32 @!p3 $0xA;
	[sflag:s6] =	ssyncadd.s32 $0xFFFFC000  }
0x102: {  	[hbm4b:s22+s3] =	stream.linear.scatter [tilespmem:s28], [sflag:$0xB], $0x4000, $0x38;
	[tilespmem:$0x19E28] =	vst v63  }
0x103: {  	_ =	swait.ge @!p3 [sflag:s5], $0x4000  }
0x104: {  	s4 =	simm.s32 @!p3 $0x680;
	[sflag:s5] =	ssyncset.done @!p3 $0x0  }
0x105: {  	s11 =	simm.s32 @!p3 $0x80;
	s14 =	simm.s32 @!p3 $0x4C80;
	[sflag:s5] =	ssyncadd.s32 @!p3 $0xFFFFC000  }
0x106: {  	[tilespmem:s14], [sflag:$0x4] =	stream.indirect.gather @!p3 [spmem:s2], $0x80, s4, s11, $0xb8;
	[tilespmem:$0x19E28] =	vst v63  }
0x107: {  	_ =	swait.ge [sflag:s7], $0x4000  }
0x108: {  	p3 =	sle.u32 s20, $0x1C0;
	[sflag:s7] =	ssyncset.done $0x0  }
0x109: {  	s23 =	sadd.s32 $0x40000, s17;
	s5 =	simm.s32 @!p3 $0xB;
	[sflag:s7] =	ssyncadd.s32 $0xFFFFC000  }
0x10a: {  	[hbm4b:s23+s3] =	stream.linear.scatter [tilespmem:s29], [sflag:$0xC], $0x4000, $0x38;
	[tilespmem:$0x19E28] =	vst v63  }
0x10b: {  	_ =	swait.ge @!p3 [sflag:s5], $0x4000  }
0x10c: {  	s4 =	simm.s32 @!p3 $0x700;
	[sflag:s5] =	ssyncset.done @!p3 $0x0  }
0x10d: {  	s11 =	simm.s32 @!p3 $0x80;
	s14 =	simm.s32 @!p3 $0x8C80;
	[sflag:s5] =	ssyncadd.s32 @!p3 $0xFFFFC000  }
0x10e: {  	[tilespmem:s14], [sflag:$0x5] =	stream.indirect.gather @!p3 [spmem:s2], $0x80, s4, s11, $0xb8;
	[tilespmem:$0x19E28] =	vst v63  }
0x10f: {  	p4 =	sle.u32 s20, $0x1E0;
	_ =	swait.ge [sflag:s8], $0x4000  }
0x110: {  	s25 =	sadd.s32 $0x50000, s17;
	s21 =	simm.s32 $0x2A0;
	[sflag:s8] =	ssyncset.done $0x0  }
0x111: {  	s23 =	simm.s32 @!p4 $0xC;
	s5 =	simm.s32 @!p4 $0x80;
	[sflag:s8] =	ssyncadd.s32 $0xFFFFC000  }
0x112: {  	[hbm4b:s25+s3] =	stream.linear.scatter [tilespmem:s30], [sflag:$0xD], $0x4000, $0x38;
	[tilespmem:$0x19E28] =	vst v63  }
0x113: {  	s11 =	simm.s32 $0xC00;
	s4 =	simm.s32 @!p4 $0x780;
	_ =	swait.ge @!p4 [sflag:s23], $0x4000  }
0x114: {  	s14 =	simm.s32 @!p4 $0xCC80;
	s25 =	smov.u32 s17;
	[sflag:s23] =	ssyncset.done @!p4 $0x0  }
.LBB2_2:
0x115: {  	[sflag:s23] =	ssyncadd.s32 @!p4 $0xFFFFC000  }
0x116: {  	s25 =	sadd.s32 $0x60000, s25;
	s22 =	smov.u32 s11;
	s11 =	sadd.s32 $0xC00, s11  }
0x117: {  	[tilespmem:s14], [sflag:$0x6] =	stream.indirect.gather @!p4 [spmem:s2], $0x80, s4, s5, $0xb8;
	[tilespmem:$0x19E28] =	vst v63  }
0x118: {  	p3 =	sne.s32 s11, $0x2400;
	_ =	swait.ge [sflag:s9], $0x4000  }
0x119: {  	[sflag:s9] =	ssyncset.done $0x0  }
0x11a: {  	[sflag:s9] =	ssyncadd.s32 $0xFFFFC000  }
0x11b: {  	[hbm4b:s25+s3] =	stream.linear.scatter [tilespmem:s1], [sflag:$0xE], $0x4000, $0x38;
	[tilespmem:$0x19E28] =	vst v63  }
0x11c: {  	s4 =	sshra.s32 s22, $0x2;
	_ =	swait.ge [sflag:s18], $0x4000  }
0x11d: {  	s5 =	sadd.s32 $0x500, s4;
	[sflag:s18] =	ssyncset.done $0x0  }
0x11e: {  	[sflag:s18] =	ssyncadd.s32 $0xFFFFC000  }
0x11f: {  	[tilespmem:s30], [sflag:$0x7] =	stream.indirect.gather [spmem:s2], $0x80, s5, s13, $0xb8;
	[tilespmem:$0x19E28] =	vst v63  }
0x120: {  	_ =	swait.ge [sflag:s31], $0x4000  }
0x121: {  	s5 =	sadd.s32 $0x10000, s25;
	[sflag:s31] =	ssyncset.done $0x0  }
0x122: {  	[sflag:s31] =	ssyncadd.s32 $0xFFFFC000  }
0x123: {  	[hbm4b:s5+s3] =	stream.linear.scatter [tilespmem:s24], [sflag:$0x9], $0x4000, $0x38;
	[tilespmem:$0x19E28] =	vst v63  }
0x124: {  	_ =	swait.ge [sflag:s10], $0x4000  }
0x125: {  	s4 =	sadd.s32 $0x580, s4;
	[sflag:s10] =	ssyncset.done $0x0  }
0x126: {  	[sflag:s10] =	ssyncadd.s32 $0xFFFFC000  }
0x127: {  	[tilespmem:s1], [sflag:$0x8] =	stream.indirect.gather [spmem:s2], $0x80, s4, s13, $0xb8;
	[tilespmem:$0x19E28] =	vst v63  }
0x128: {  	s4 =	sadd.s32 $0xFFFFFFA0, s21;
	_ =	swait.ge [sflag:s0], $0x4000  }
0x129: {  	s5 =	sadd.s32 $0x20000, s25;
	p4 =	sge.u32 s4, s20;
	[sflag:s0] =	ssyncset.done $0x0  }
0x12a: {  	s4 =	simm.s32 @!p4 $0x9;
	[sflag:s0] =	ssyncadd.s32 $0xFFFFC000  }
0x12b: {  	[hbm4b:s5+s3] =	stream.linear.scatter [tilespmem:s26], [sflag:$0xA], $0x4000, $0x38;
	[tilespmem:$0x19E28] =	vst v63  }
0x12c: {  	s14 =	simm.s32 @!p4 $0xC80;
	s5 =	sshra.s32 @!p4 s22, $0x2;
	_ =	swait.ge @!p4 [sflag:s4], $0x4000  }
0x12d: {  	s23 =	simm.s32 @!p4 $0x80;
	s5 =	sadd.s32 @!p4 $0x600, s5;
	[sflag:s4] =	ssyncset.done @!p4 $0x0  }
0x12e: {  	[sflag:s4] =	ssyncadd.s32 @!p4 $0xFFFFC000  }
0x12f: {  	[tilespmem:s14], [sflag:$0x3] =	stream.indirect.gather @!p4 [spmem:s2], $0x80, s5, s23, $0xb8;
	[tilespmem:$0x19E28] =	vst v63  }
0x130: {  	s4 =	sadd.s32 $0xFFFFFFC0, s21;
	_ =	swait.ge [sflag:s6], $0x4000  }
0x131: {  	s5 =	sadd.s32 $0x30000, s25;
	p4 =	sge.u32 s4, s20;
	[sflag:s6] =	ssyncset.done $0x0  }
0x132: {  	s4 =	simm.s32 @!p4 $0xA;
	s14 =	sshra.s32 @!p4 s22, $0x2;
	[sflag:s6] =	ssyncadd.s32 $0xFFFFC000  }
0x133: {  	[hbm4b:s5+s3] =	stream.linear.scatter [tilespmem:s28], [sflag:$0xB], $0x4000, $0x38;
	[tilespmem:$0x19E28] =	vst v63  }
0x134: {  	s5 =	sadd.s32 @!p4 $0x680, s14;
	_ =	swait.ge @!p4 [sflag:s4], $0x4000  }
0x135: {  	s23 =	simm.s32 @!p4 $0x4C80;
	s14 =	simm.s32 @!p4 $0x80;
	[sflag:s4] =	ssyncset.done @!p4 $0x0  }
0x136: {  	[sflag:s4] =	ssyncadd.s32 @!p4 $0xFFFFC000  }
0x137: {  	[tilespmem:s23], [sflag:$0x4] =	stream.indirect.gather @!p4 [spmem:s2], $0x80, s5, s14, $0xb8;
	[tilespmem:$0x19E28] =	vst v63  }
0x138: {  	s4 =	sadd.s32 $0xFFFFFFE0, s21;
	_ =	swait.ge [sflag:s7], $0x4000  }
0x139: {  	s5 =	sadd.s32 $0x40000, s25;
	p4 =	sge.u32 s4, s20;
	[sflag:s7] =	ssyncset.done $0x0  }
0x13a: {  	s4 =	simm.s32 @!p4 $0xB;
	s14 =	sshra.s32 @!p4 s22, $0x2;
	[sflag:s7] =	ssyncadd.s32 $0xFFFFC000  }
0x13b: {  	[hbm4b:s5+s3] =	stream.linear.scatter [tilespmem:s29], [sflag:$0xC], $0x4000, $0x38;
	[tilespmem:$0x19E28] =	vst v63  }
0x13c: {  	s5 =	sadd.s32 @!p4 $0x700, s14;
	_ =	swait.ge @!p4 [sflag:s4], $0x4000  }
0x13d: {  	s23 =	simm.s32 @!p4 $0x8C80;
	s14 =	simm.s32 @!p4 $0x80;
	[sflag:s4] =	ssyncset.done @!p4 $0x0  }
0x13e: {  	[sflag:s4] =	ssyncadd.s32 @!p4 $0xFFFFC000  }
0x13f: {  	[tilespmem:s23], [sflag:$0x5] =	stream.indirect.gather @!p4 [spmem:s2], $0x80, s5, s14, $0xb8;
	[tilespmem:$0x19E28] =	vst v63  }
0x140: {  	p4 =	sge.u32 s21, s20;
	_ =	swait.ge [sflag:s8], $0x4000  }
.Ltmp0:
0x141: {  	s4 =	sadd.s32 $0x50000, s25;
	[sflag:s8] =	ssyncset.done $0x0;
	(pc) =	sbr.rel @p3 .LBB2_2-.Ltmp0, $4  }
0x142: {  	s23 =	simm.s32 @!p4 $0xC;
	s5 =	sshra.s32 @!p4 s22, $0x2;
	[sflag:s8] =	ssyncadd.s32 $0xFFFFC000  }
0x143: {  	[hbm4b:s4+s3] =	stream.linear.scatter [tilespmem:s30], [sflag:$0xD], $0x4000, $0x38;
	[tilespmem:$0x19E28] =	vst v63  }
0x144: {  	s21 =	sadd.s32 $0xC0, s21;
	s4 =	sadd.s32 @!p4 $0x780, s5;
	_ =	swait.ge @!p4 [sflag:s23], $0x4000  }
0x145: {  	s14 =	simm.s32 @!p4 $0xCC80;
	s5 =	simm.s32 @!p4 $0x80;
	[sflag:s23] =	ssyncset.done @!p4 $0x0  }
0x146: {  	[sflag:s23] =	ssyncadd.s32 @!p4 $0xFFFFC000  }
0x147: {  	[tilespmem:s14], [sflag:$0x6] =	stream.indirect.gather @!p4 [spmem:s2], $0x80, s4, s5, $0xb8;
	[tilespmem:$0x19E28] =	vst v63  }
0x148: {  	_ =	swait.ge [sflag:s9], $0x4000  }
0x149: {  	[sflag:s9] =	ssyncset.done $0x0  }
0x14a: {  	s21 =	rddreg [dreg:$0x15];
	[sflag:s9] =	ssyncadd.s32 $0xFFFFC000  }
0x14b: {  	[hbm4b:s21+s3] =	stream.linear.scatter [tilespmem:s1], [sflag:$0xE], $0x4000, $0x38;
	[tilespmem:$0x19E28] =	vst v63  }
0x14c: {  	s4 =	simm.s32 @!p2 $0x0;
	s5 =	simm.s32 @!p2 $0x18C80;
	s11 =	rddreg [dreg:$0x16]  }
0x14d: {  	[tilespmem:s5], [sflag:$0xF] =	stream.linear.gather @!p2 [hbm4b:s11+s4], $0x20, $0x38;
	[tilespmem:$0x19E28] =	vst v63  }
0x14e: {  	s11 =	simm.s32 @!p2 $0xF  }
0x14f: {  	_ =	swait.ge @!p2 [sflag:s11], $0x20  }
0x150: {  	[sflag:s11] =	ssyncset.done @!p2 $0x0  }
0x151: {  	s14 =	simm.s32 @!p2 $0x20;
	s21 =	simm.s32 @!p2 $0x18D00;
	[sflag:s11] =	ssyncadd.s32 @!p2 $0xFFFFFFE0  }
0x152: {  	[tilespmem:s21], [sflag:$0x2] =	stream.indirect.gather @!p2 [spmem:s2], $0x80, s5, s14, $0xb8;
	[tilespmem:$0x19E28] =	vst v63  }
0x153: {  	s5 =	simm.s32 @!p2 $0x2  }
0x154: {  	_ =	swait.ge @!p2 [sflag:s5], $0x1000  }
0x155: {  	[sflag:s5] =	ssyncset.done @!p2 $0x0  }
0x156: {  	[sflag:s5] =	ssyncadd.s32 @!p2 $0xFFFFF000;
	s5 =	rddreg [dreg:$0x17]  }
0x157: {  	[hbm4b:s5+s4] =	stream.linear.scatter @!p2 [tilespmem:s21], [sflag:$0xF], $0x1000, $0x38;
	[tilespmem:$0x19E28] =	vst v63  }
0x158: {  	_ =	swait.ge @!p2 [sflag:s11], $0x1000  }
0x159: {  	[sflag:s11] =	ssyncset.done @!p2 $0x0  }
0x15a: {  	s4 =	simm.s32 @!p1 $0x3;
	[sflag:s11] =	ssyncadd.s32 @!p2 $0xFFFFF000  }
0x15b: {  	_ =	swait.ge @!p1 [sflag:s4], $0x4000  }
0x15c: {  	s11 =	sld [smem:$0x7FD]  }
0x15d: {  	s22 =	simm.s32 $0x9;
	[sflag:s4] =	ssyncset.done @!p1 $0x0  }
0x15e: {  	s5 =	simm.s32 @!p1 $0xC80;
	[sflag:s4] =	ssyncadd.s32 @!p1 $0xFFFFC000;
	s4 =	simm.s32 @!p1 $0x0  }
0x15f: {  	[hbm4b:s11+s4] =	stream.linear.scatter @!p1 [tilespmem:s5], [sflag:$0x9], $0x4000, $0x38;
	[tilespmem:$0x19E28] =	vst v63  }
0x160: {  	_ =	swait.ge [sflag:s22], $0x4000  }
0x161: {  	[sflag:s22] =	ssyncset.done $0x0  }
0x162: {  	[sflag:s22] =	ssyncadd.s32 $0xFFFFC000  }
0x163: {  	_ =	swait.ge [sflag:s12], $0x4000  }
0x164: {  	[sflag:s12] =	ssyncset.done $0x0  }
0x165: {  	[sflag:s12] =	ssyncadd.s32 $0xFFFFC000  }
0x166: {  	_ =	swait.ge [sflag:s16], $0x4000  }
0x167: {  	[sflag:s16] =	ssyncset.done $0x0  }
0x168: {  	s23 =	simm.s32 $0xC;
	[sflag:s16] =	ssyncadd.s32 $0xFFFFC000  }
0x169: {  	_ =	swait.ge [sflag:s23], $0x4000  }
0x16a: {  	[sflag:s23] =	ssyncset.done $0x0  }
0x16b: {  	[sflag:s23] =	ssyncadd.s32 $0xFFFFC000  }
0x16c: {  	_ =	swait.ge [sflag:s18], $0x4000  }
0x16d: {  	[sflag:s18] =	ssyncset.done $0x0  }
0x16e: {  	[sflag:s18] =	ssyncadd.s32 $0xFFFFC000  }
0x16f: {  	_ =	swait.ge [sflag:s10], $0x4000  }
0x170: {  	s19 =	sadd.s32 $0x1, s19;
	s25 =	rddreg [dreg:$0x18]  }
0x171: {  	p3 =	sne.s32 s19, s25  }
.Ltmp1:
0x172: {  	_ = 	snop;
	(pc) =	sbr.rel @p3 .LBB2_1-.Ltmp1, $3  }
0x173: {  	_ =	sdelay $0x1  }
0x174: {  	[sflag:s10] =	ssyncset.done $0x0  }
0x175: {  	[sflag:s10] =	ssyncadd.s32 $0xFFFFC000  }
0x176: {  	_ =	sfence.sel $0x180000  }
0x177: {  	[bflag:$0x0] =	sbarrier.arrive $0xFFFF  }
0x178: {  	_ =	strace $0x90000047  }
0x179: {  	[bflag:$0x2] =	sbarrier.arrive $0xFFFF  }
0x17a: {  	s0 =	rddreg [dreg:$0x4]  }
0x17b: {  	s0 =	sadd.s32 @!p0 $0x100000, s0  }
0x17c: {  	[sflag:s0] =	ssyncadd.tile.s32 @!p0 $0x1;
	_ =	shalt  }
.Lfunc_end2:
_tile_overlayer_lowered:
.L_overlay_start_2:
0x17d: {  	(tag) =	ssettag $0x2  }
0x17e: {  	s0 =	rddreg [dreg:$0x0];
	s2 =	stileid.u32  }
0x17f: {  	s1 =	rddreg [dreg:$0x1];
	p0 =	sne.s32 s2, $0x0  }
0x180: {  	s3 =	rddreg [dreg:$0x2];
	[bflag:$0x3] =	sbarrier.arrive $0xFFFF;
	s2 =	simm.s32 @!p0 $0x1C0F  }
0x181: {  	[timem:s3], [sflag:s2] =	dma.local @!p0 [hbm:s0], s1  }
0x182: {  	s0 =	simm.s32 @!p0 $0xF  }
0x183: {  	_ =	swait.ge @!p0 [sflag:s0], s1  }
0x184: {  	s1 =	ssub.s32 @!p0 $0x0, s1;
	[sflag:s0] =	ssyncset.done @!p0 $0x0  }
0x185: {  	[sflag:s0] =	ssyncadd.s32 @!p0 s1  }
0x186: {  	[bflag:$0x3] =	sbarrier.arrive $0xFFFF  }
0x187: {  	_ =	shalt  }

</sc_bundles>
